<compile_context>
chip_gen: v7x
topology: tpu7x:2x2x1
jax: 0.10.2.dev20260603
libtpu: 0.0.44.dev20260713+nightly
codegen_flags: <defaults>
</compile_context>

<pallas_src>
import functools

import jax
import jax.numpy as jnp
from jax import lax
from jax.experimental import pallas as pl
from jax.experimental.pallas import tpu as pltpu
from jax.experimental.pallas import tpu_sc as plsc

N = 10000
E = 320000
F_IN = 128
HID = 128
NCLS = 64

NC = 2
NS = 16
NW = NC * NS

CHUNK = 128
CH = 80
IDXW = 40
EPAD = NW * CH * CHUNK
NPAD = 10240
RPT = NPAD // NS
PAD_SPREAD = NPAD - N

_mesh = plsc.VectorSubcoreMesh(core_axis_name="c", subcore_axis_name="s")


@functools.partial(
    pl.kernel,
    out_type=(
        jax.ShapeDtypeStruct((NW, NPAD), jnp.float32),
        jax.ShapeDtypeStruct((NW, NPAD), jnp.float32),
    ),
    mesh=_mesh,
    compiler_params=pltpu.CompilerParams(needs_layout_passes=False),
    scratch_types=[
        pltpu.VMEM((CH, CHUNK), jnp.int32),
        pltpu.VMEM((CH, CHUNK), jnp.int32),
        pltpu.VMEM((NPAD,), jnp.float32),
        pltpu.VMEM((NPAD,), jnp.float32),
    ],
)
def _deg_kernel(src_hbm, dst_hbm, zeros_hbm, od_out, id_out,
                sidx, didx, oh, ih):
    c = lax.axis_index("c")
    s = lax.axis_index("s")
    wid = c * NS + s
    pltpu.sync_copy(src_hbm.at[wid], sidx)
    pltpu.sync_copy(dst_hbm.at[wid], didx)
    pltpu.sync_copy(zeros_hbm, oh)
    pltpu.sync_copy(zeros_hbm, ih)
    ones = jnp.ones((16,), jnp.float32)

    def body(j, carry):
        def inner(k, carry2):
            sv = sidx[j, pl.ds(k * 16, 16)]
            dv = didx[j, pl.ds(k * 16, 16)]
            plsc.addupdate_scatter(oh, [sv], ones)
            plsc.addupdate_scatter(ih, [dv], ones)
            return carry2
        return lax.fori_loop(0, CHUNK // 16, inner, carry)

    lax.fori_loop(0, CH, body, 0)
    pltpu.sync_copy(oh, od_out.at[wid])
    pltpu.sync_copy(ih, id_out.at[wid])


def _make_mp(F, chunk, nwin):
    params = pltpu.CompilerParams(use_tc_tiling_on_sc=False)
    nch = (CH * CHUNK) // chunk
    winch = nch // nwin
    assert winch % 4 == 0 and nch * chunk == CH * CHUNK

    @functools.partial(
        pl.kernel,
        out_type=jax.ShapeDtypeStruct((NC, NPAD, F), jnp.float32),
        mesh=_mesh,
        compiler_params=params,
        scratch_types=[
            pltpu.VMEM((winch, chunk), jnp.int32),
            pltpu.VMEM((winch, chunk), jnp.int32),
            pltpu.VMEM((2, chunk, F), jnp.float32),
            pltpu.VMEM_SHARED((NPAD, F), jnp.float32),
            [pltpu.SemaphoreType.DMA] * 2,
            [pltpu.SemaphoreType.DMA] * 2,
        ],
    )
    def _mp(h_hbm, src_hbm, dst_hbm, zeros_hbm, out_hbm,
            sidx, didx, gbuf, agg_sh, gsem, ssem):
        c = lax.axis_index("c")
        s = lax.axis_index("s")
        wid = c * NS + s
        pltpu.sync_copy(zeros_hbm, agg_sh.at[pl.ds(s * RPT, RPT)])
        plsc.subcore_barrier()

        def round_body(r, carry):
            j0 = 2 * r
            j1 = j0 + 1
            pltpu.make_async_copy(h_hbm.at[sidx.at[j0]], gbuf.at[0],
                                  gsem[0]).wait()
            pltpu.sync_copy(gbuf.at[0], agg_sh.at[didx.at[j0]], add=True)

            @pl.when(j0 + 2 < winch)
            def _():
                pltpu.async_copy(h_hbm.at[sidx.at[j0 + 2]], gbuf.at[0],
                                 gsem[0])

            pltpu.make_async_copy(h_hbm.at[sidx.at[j1]], gbuf.at[1],
                                  gsem[1]).wait()
            pltpu.sync_copy(gbuf.at[1], agg_sh.at[didx.at[j1]], add=True)

            @pl.when(j1 + 2 < winch)
            def _():
                pltpu.async_copy(h_hbm.at[sidx.at[j1 + 2]], gbuf.at[1],
                                 gsem[1])

            return carry

        for win in range(nwin):
            pltpu.sync_copy(src_hbm.at[wid, pl.ds(win * winch, winch)], sidx)
            pltpu.sync_copy(dst_hbm.at[wid, pl.ds(win * winch, winch)], didx)
            pltpu.async_copy(h_hbm.at[sidx.at[0]], gbuf.at[0], gsem[0])
            pltpu.async_copy(h_hbm.at[sidx.at[1]], gbuf.at[1], gsem[1])
            lax.fori_loop(0, winch // 2, round_body, 0)

        plsc.subcore_barrier()
        pltpu.sync_copy(agg_sh.at[pl.ds(s * RPT, RPT)],
                        out_hbm.at[c, pl.ds(s * RPT, RPT)])

    return _mp


def _make_mp4(F, chunk, nwin):
    params = pltpu.CompilerParams(use_tc_tiling_on_sc=False)
    nch = (CH * CHUNK) // chunk
    winch = nch // nwin
    assert winch % 4 == 0 and nch * chunk == CH * CHUNK

    @functools.partial(
        pl.kernel,
        out_type=jax.ShapeDtypeStruct((NC, NPAD, F), jnp.float32),
        mesh=_mesh,
        compiler_params=params,
        scratch_types=[
            pltpu.VMEM((winch, chunk), jnp.int32),
            pltpu.VMEM((winch, chunk), jnp.int32),
            pltpu.VMEM((4, chunk, F), jnp.float32),
            pltpu.VMEM_SHARED((NPAD, F), jnp.float32),
            [pltpu.SemaphoreType.DMA] * 4,
            [pltpu.SemaphoreType.DMA] * 4,
        ],
    )
    def _mp(h_hbm, src_hbm, dst_hbm, zeros_hbm, out_hbm,
            sidx, didx, gbuf, agg_sh, gsem, ssem):
        c = lax.axis_index("c")
        s = lax.axis_index("s")
        wid = c * NS + s
        pltpu.sync_copy(zeros_hbm, agg_sh.at[pl.ds(s * RPT, RPT)])
        plsc.subcore_barrier()

        def round_body(r, carry):
            for t in range(4):
                j = 4 * r + t
                pltpu.make_async_copy(h_hbm.at[sidx.at[j]], gbuf.at[t],
                                      gsem[t]).wait()
                pltpu.async_copy(gbuf.at[t], agg_sh.at[didx.at[j]],
                                 ssem[t], add=True)
                tp = (t + 2) % 4

                @pl.when(j >= 2)
                def _():
                    pltpu.make_async_copy(gbuf.at[tp],
                                          agg_sh.at[didx.at[0]],
                                          ssem[tp]).wait()

                @pl.when(j + 2 < winch)
                def _():
                    pltpu.async_copy(h_hbm.at[sidx.at[j + 2]], gbuf.at[tp],
                                     gsem[tp])
            return carry

        for win in range(nwin):
            pltpu.sync_copy(src_hbm.at[wid, pl.ds(win * winch, winch)], sidx)
            pltpu.sync_copy(dst_hbm.at[wid, pl.ds(win * winch, winch)], didx)
            pltpu.async_copy(h_hbm.at[sidx.at[0]], gbuf.at[0], gsem[0])
            pltpu.async_copy(h_hbm.at[sidx.at[1]], gbuf.at[1], gsem[1])
            lax.fori_loop(0, winch // 4, round_body, 0)
            pltpu.make_async_copy(gbuf.at[2], agg_sh.at[didx.at[0]],
                                  ssem[2]).wait()
            pltpu.make_async_copy(gbuf.at[3], agg_sh.at[didx.at[0]],
                                  ssem[3]).wait()

        plsc.subcore_barrier()
        pltpu.sync_copy(agg_sh.at[pl.ds(s * RPT, RPT)],
                        out_hbm.at[c, pl.ds(s * RPT, RPT)])

    return _mp


_mp128 = _make_mp(HID, 128, 2)
_mp64 = _make_mp4(NCLS, 128, 1)

BLK = 512


def _inv_sqrt_deg(dcol):
    return jnp.where(dcol > 0, lax.rsqrt(jnp.maximum(dcol, 1.0)), 0.0)


def _scale_col(deg_ref):
    d = jnp.sum(deg_ref[...], axis=0, keepdims=True)
    return _inv_sqrt_deg(d).T


def _l1_kernel(x_ref, w_ref, od_ref, o_ref):
    o_ref[...] = jnp.dot(x_ref[...] * _scale_col(od_ref), w_ref[...],
                         preferred_element_type=jnp.float32)


def _l2_kernel(agg_ref, id_ref, od_ref, b1_ref, w_ref, o_ref):
    h = (agg_ref[0] + agg_ref[1]) * _scale_col(id_ref) + b1_ref[...]
    h = jnp.maximum(h, 0.0) * _scale_col(od_ref)
    o_ref[...] = jnp.dot(h, w_ref[...], preferred_element_type=jnp.float32)


def _out_kernel(agg_ref, id_ref, b2_ref, o_ref):
    o_ref[...] = (agg_ref[0] + agg_ref[1]) * _scale_col(id_ref) + b2_ref[...]


def kernel(inputs, edge_index, W1, b1, W2, b2):
    src = edge_index[0].astype(jnp.int32)
    dst = edge_index[1].astype(jnp.int32)
    npd = EPAD - E
    pad = N + (jnp.arange(npd, dtype=jnp.int32) % PAD_SPREAD)
    srcr = jnp.concatenate([src, pad]).reshape(NW, CH, CHUNK)
    dstr = jnp.concatenate([dst, pad]).reshape(NW, CH, CHUNK)
    z128 = jnp.zeros((RPT, HID), jnp.float32)
    z64 = jnp.zeros((RPT, NCLS), jnp.float32)
    z1d = jnp.zeros((NPAD,), jnp.float32)

    od_p, id_p = _deg_kernel(srcr, dstr, z1d)

    h1s = pl.pallas_call(
        _l1_kernel,
        grid=(NPAD // BLK,),
        in_specs=[
            pl.BlockSpec((BLK, F_IN), lambda i: (i, 0)),
            pl.BlockSpec((F_IN, HID), lambda i: (0, 0)),
            pl.BlockSpec((NW, BLK), lambda i: (0, i)),
        ],
        out_specs=pl.BlockSpec((BLK, HID), lambda i: (i, 0)),
        out_shape=jax.ShapeDtypeStruct((NPAD, HID), jnp.float32),
    )(inputs, W1, od_p)

    agg1 = _mp128(h1s, srcr, dstr, z128)

    h2s = pl.pallas_call(
        _l2_kernel,
        grid=(NPAD // BLK,),
        in_specs=[
            pl.BlockSpec((NC, BLK, HID), lambda i: (0, i, 0)),
            pl.BlockSpec((NW, BLK), lambda i: (0, i)),
            pl.BlockSpec((NW, BLK), lambda i: (0, i)),
            pl.BlockSpec((1, HID), lambda i: (0, 0)),
            pl.BlockSpec((HID, NCLS), lambda i: (0, 0)),
        ],
        out_specs=pl.BlockSpec((BLK, NCLS), lambda i: (i, 0)),
        out_shape=jax.ShapeDtypeStruct((NPAD, NCLS), jnp.float32),
    )(agg1, id_p, od_p, b1.reshape(1, HID), W2)

    agg2 = _mp64(h2s, srcr, dstr, z64)

    out = pl.pallas_call(
        _out_kernel,
        grid=(NPAD // BLK,),
        in_specs=[
            pl.BlockSpec((NC, BLK, NCLS), lambda i: (0, i, 0)),
            pl.BlockSpec((NW, BLK), lambda i: (0, i)),
            pl.BlockSpec((1, NCLS), lambda i: (0, 0)),
        ],
        out_specs=pl.BlockSpec((BLK, NCLS), lambda i: (i, 0)),
        out_shape=jax.ShapeDtypeStruct((NPAD, NCLS), jnp.float32),
    )(agg2, id_p, b2.reshape(1, NCLS))

    return out[:N]

# --- scband reference (transcript-rebuilt; emitter-appended) ---
"""Pipeline reference for scband-gcn-9509057593598 (READ-ONLY COPY).

The authoritative reference and input builder live on the scoring server;
editing this copy changes nothing except your own understanding.
"""

import jax, jax.numpy as jnp
import numpy as np

N_NODES = 10000
N_EDGES = 320000
IN_FEATS = 128
HIDDEN = 128
NUM_CLASSES = 64


def setup_inputs(seed: int = 0) -> dict:
    key = jax.random.key(seed)
    ks = jax.random.split(key, 6)
    inputs = jax.random.normal(ks[0], (N_NODES, IN_FEATS), dtype=jnp.float32)
    edge_index = jax.random.randint(ks[1], (2, N_EDGES), 0, N_NODES, dtype=jnp.int64)
    W1 = jax.random.normal(ks[2], (IN_FEATS, HIDDEN), dtype=jnp.float32) / np.sqrt(IN_FEATS)
    b1 = jnp.zeros((HIDDEN,), dtype=jnp.float32)
    W2 = jax.random.normal(ks[3], (HIDDEN, NUM_CLASSES), dtype=jnp.float32) / np.sqrt(HIDDEN)
    b2 = jnp.zeros((NUM_CLASSES,), dtype=jnp.float32)
    return {"inputs": inputs, "edge_index": edge_index, "W1": W1, "b1": b1, "W2": W2, "b2": b2}


def _graph_conv(x, src, dst, W, b, out_deg_inv_sqrt, in_deg_inv_sqrt):
    # DGL GraphConv, norm='both': D_dst^{-1/2} A D_src^{-1/2} X W + b
    h = x @ W
    h = h * out_deg_inv_sqrt[:, None]
    msg = h[src]  # gather (memory-bound)
    agg = jax.ops.segment_sum(msg, dst, num_segments=N_NODES)  # scatter-add
    agg = agg * in_deg_inv_sqrt[:, None]
    return agg + b


def reference(inputs, edge_index, W1, b1, W2, b2):
    src = edge_index[0]
    dst = edge_index[1]
    out_deg = jnp.zeros((N_NODES,), dtype=jnp.float32).at[src].add(1.0)
    in_deg = jnp.zeros((N_NODES,), dtype=jnp.float32).at[dst].add(1.0)
    out_deg_inv_sqrt = jnp.where(out_deg > 0, 1.0 / jnp.sqrt(jnp.maximum(out_deg, 1.0)), 0.0)
    in_deg_inv_sqrt = jnp.where(in_deg > 0, 1.0 / jnp.sqrt(jnp.maximum(in_deg, 1.0)), 0.0)
    h = _graph_conv(inputs, src, dst, W1, b1, out_deg_inv_sqrt, in_deg_inv_sqrt)
    h = jax.nn.relu(h)
    out = _graph_conv(h, src, dst, W2, b2, out_deg_inv_sqrt, in_deg_inv_sqrt)
    return out

if __name__ == "__main__":
    import jax
    _d = setup_inputs()
    print(jax.jit(kernel)(*tuple(_d.values())))

</pallas_src>

<mosaic_0001>
#map = affine_map<(d0, d1) -> (0, 0)>
#map1 = affine_map<(d0, d1) -> (0, 0, 0)>
module attributes {stable_mosaic.version = 14 : i64} {
  func.func @_mp(%arg0: i32, %arg1: i32, %arg2: memref<10240x64xf32, #tpu.memory_space<hbm>>, %arg3: memref<32x80x128xi32, #tpu.memory_space<hbm>>, %arg4: memref<32x80x128xi32, #tpu.memory_space<hbm>>, %arg5: memref<640x64xf32, #tpu.memory_space<hbm>>, %arg6: memref<2x10240x64xf32, #tpu.memory_space<hbm>>, %arg7: memref<80x128xi32, #tpu.memory_space<vmem>>, %arg8: memref<80x128xi32, #tpu.memory_space<vmem>>, %arg9: memref<4x128x64xf32, #tpu.memory_space<vmem>>, %arg10: memref<10240x64xf32, #tpu.memory_space<vmem_shared>>, %arg11: memref<!tpu.dma_semaphore, #tpu.memory_space<semaphore_mem>>, %arg12: memref<!tpu.dma_semaphore, #tpu.memory_space<semaphore_mem>>, %arg13: memref<!tpu.dma_semaphore, #tpu.memory_space<semaphore_mem>>, %arg14: memref<!tpu.dma_semaphore, #tpu.memory_space<semaphore_mem>>, %arg15: memref<!tpu.dma_semaphore, #tpu.memory_space<semaphore_mem>>, %arg16: memref<!tpu.dma_semaphore, #tpu.memory_space<semaphore_mem>>, %arg17: memref<!tpu.dma_semaphore, #tpu.memory_space<semaphore_mem>>, %arg18: memref<!tpu.dma_semaphore, #tpu.memory_space<semaphore_mem>>) attributes {dimension_semantics = [#tpu.dimension_semantics<core_parallel>, #tpu.dimension_semantics<subcore_parallel>], iteration_bounds = array<i64: 2, 16>, scalar_prefetch = 0 : i64, scratch_operands = 12 : i64, tpu.core_type = #tpu.core_type<sc_vector_subcore>, window_params = [{transform_indices = #map}, {transform_indices = #map1}, {transform_indices = #map1}, {transform_indices = #map}, {transform_indices = #map1}]} {
    %mul3A = arith.constant 16 : i32
    %mul3A_0 = arith.muli %arg0, %mul3A : i32
    %add3A = arith.addi %mul3A_0, %arg1 : i32
    %mul3A_1 = arith.constant 640 : i32
    %mul3A_2 = arith.muli %arg1, %mul3A_1 : i32
    "tpu.region"() ({
      %run_scoped3A = tpu.sem_alloc : memref<!tpu.dma_semaphore, #tpu.memory_space<semaphore_mem>>
      %dma_start3A_59 = arith.constant 0 : i32
      %dma_start3A_60 = tpu.memref_slice %arg10[%mul3A_2, %dma_start3A_59] : memref<10240x64xf32, #tpu.memory_space<vmem_shared>> -> memref<640x64xf32, #tpu.memory_space<vmem_shared>>
      tpu.enqueue_dma source(%arg5 : memref<640x64xf32, #tpu.memory_space<hbm>>) target(%dma_start3A_60 : memref<640x64xf32, #tpu.memory_space<vmem_shared>>) target_semaphore(%run_scoped3A : memref<!tpu.dma_semaphore, #tpu.memory_space<semaphore_mem>>)
      %dma_wait3A_61 = arith.constant 0 : i32
      %dma_wait3A_62 = tpu.memref_slice %arg10[%mul3A_2, %dma_wait3A_61] : memref<10240x64xf32, #tpu.memory_space<vmem_shared>> -> memref<640x64xf32, #tpu.memory_space<vmem_shared>>
      tpu.wait_dma2 semaphore(%run_scoped3A : memref<!tpu.dma_semaphore, #tpu.memory_space<semaphore_mem>>) src(%arg5 : memref<640x64xf32, #tpu.memory_space<hbm>>) dst(%dma_wait3A_62 : memref<640x64xf32, #tpu.memory_space<vmem_shared>>)
      tpu.yield
    }) : () -> ()
    %barrier3A = arith.constant 0 : index
    tpu.barrier barrier_id(%barrier3A)
    "tpu.region"() ({
      %run_scoped3A = tpu.sem_alloc : memref<!tpu.dma_semaphore, #tpu.memory_space<semaphore_mem>>
      %dma_start3A_59 = arith.constant 0 : i32
      %dma_start3A_60 = arith.constant 0 : i32
      %dma_start3A_61 = tpu.memref_slice %arg3[%add3A, %dma_start3A_59, %dma_start3A_60] : memref<32x80x128xi32, #tpu.memory_space<hbm>> -> memref<1x80x128xi32, #tpu.memory_space<hbm>>
      %dma_start3A_62 = tpu.memref_squeeze %dma_start3A_61 : memref<1x80x128xi32, #tpu.memory_space<hbm>> -> memref<80x128xi32, #tpu.memory_space<hbm>>
      %dma_start3A_63 = arith.constant 0 : i32
      %dma_start3A_64 = arith.constant 0 : i32
      %dma_start3A_65 = tpu.memref_slice %arg3[%add3A, %dma_start3A_63, %dma_start3A_64] : memref<32x80x128xi32, #tpu.memory_space<hbm>> -> memref<1x80x128xi32, #tpu.memory_space<hbm>>
      %dma_start3A_66 = tpu.memref_squeeze %dma_start3A_65 : memref<1x80x128xi32, #tpu.memory_space<hbm>> -> memref<80x128xi32, #tpu.memory_space<hbm>>
      tpu.enqueue_dma source(%dma_start3A_66 : memref<80x128xi32, #tpu.memory_space<hbm>>) target(%arg7 : memref<80x128xi32, #tpu.memory_space<vmem>>) target_semaphore(%run_scoped3A : memref<!tpu.dma_semaphore, #tpu.memory_space<semaphore_mem>>)
      %dma_wait3A_67 = arith.constant 0 : i32
      %dma_wait3A_68 = arith.constant 0 : i32
      %dma_wait3A_69 = tpu.memref_slice %arg3[%add3A, %dma_wait3A_67, %dma_wait3A_68] : memref<32x80x128xi32, #tpu.memory_space<hbm>> -> memref<1x80x128xi32, #tpu.memory_space<hbm>>
      %dma_wait3A_70 = tpu.memref_squeeze %dma_wait3A_69 : memref<1x80x128xi32, #tpu.memory_space<hbm>> -> memref<80x128xi32, #tpu.memory_space<hbm>>
      %dma_wait3A_71 = arith.constant 0 : i32
      %dma_wait3A_72 = arith.constant 0 : i32
      %dma_wait3A_73 = tpu.memref_slice %arg3[%add3A, %dma_wait3A_71, %dma_wait3A_72] : memref<32x80x128xi32, #tpu.memory_space<hbm>> -> memref<1x80x128xi32, #tpu.memory_space<hbm>>
      %dma_wait3A_74 = tpu.memref_squeeze %dma_wait3A_73 : memref<1x80x128xi32, #tpu.memory_space<hbm>> -> memref<80x128xi32, #tpu.memory_space<hbm>>
      tpu.wait_dma2 semaphore(%run_scoped3A : memref<!tpu.dma_semaphore, #tpu.memory_space<semaphore_mem>>) src(%dma_wait3A_74 : memref<80x128xi32, #tpu.memory_space<hbm>>) dst(%arg7 : memref<80x128xi32, #tpu.memory_space<vmem>>)
      tpu.yield
    }) : () -> ()
    "tpu.region"() ({
      %run_scoped3A = tpu.sem_alloc : memref<!tpu.dma_semaphore, #tpu.memory_space<semaphore_mem>>
      %dma_start3A_59 = arith.constant 0 : i32
      %dma_start3A_60 = arith.constant 0 : i32
      %dma_start3A_61 = tpu.memref_slice %arg4[%add3A, %dma_start3A_59, %dma_start3A_60] : memref<32x80x128xi32, #tpu.memory_space<hbm>> -> memref<1x80x128xi32, #tpu.memory_space<hbm>>
      %dma_start3A_62 = tpu.memref_squeeze %dma_start3A_61 : memref<1x80x128xi32, #tpu.memory_space<hbm>> -> memref<80x128xi32, #tpu.memory_space<hbm>>
      %dma_start3A_63 = arith.constant 0 : i32
      %dma_start3A_64 = arith.constant 0 : i32
      %dma_start3A_65 = tpu.memref_slice %arg4[%add3A, %dma_start3A_63, %dma_start3A_64] : memref<32x80x128xi32, #tpu.memory_space<hbm>> -> memref<1x80x128xi32, #tpu.memory_space<hbm>>
      %dma_start3A_66 = tpu.memref_squeeze %dma_start3A_65 : memref<1x80x128xi32, #tpu.memory_space<hbm>> -> memref<80x128xi32, #tpu.memory_space<hbm>>
      tpu.enqueue_dma source(%dma_start3A_66 : memref<80x128xi32, #tpu.memory_space<hbm>>) target(%arg8 : memref<80x128xi32, #tpu.memory_space<vmem>>) target_semaphore(%run_scoped3A : memref<!tpu.dma_semaphore, #tpu.memory_space<semaphore_mem>>)
      %dma_wait3A_67 = arith.constant 0 : i32
      %dma_wait3A_68 = arith.constant 0 : i32
      %dma_wait3A_69 = tpu.memref_slice %arg4[%add3A, %dma_wait3A_67, %dma_wait3A_68] : memref<32x80x128xi32, #tpu.memory_space<hbm>> -> memref<1x80x128xi32, #tpu.memory_space<hbm>>
      %dma_wait3A_70 = tpu.memref_squeeze %dma_wait3A_69 : memref<1x80x128xi32, #tpu.memory_space<hbm>> -> memref<80x128xi32, #tpu.memory_space<hbm>>
      %dma_wait3A_71 = arith.constant 0 : i32
      %dma_wait3A_72 = arith.constant 0 : i32
      %dma_wait3A_73 = tpu.memref_slice %arg4[%add3A, %dma_wait3A_71, %dma_wait3A_72] : memref<32x80x128xi32, #tpu.memory_space<hbm>> -> memref<1x80x128xi32, #tpu.memory_space<hbm>>
      %dma_wait3A_74 = tpu.memref_squeeze %dma_wait3A_73 : memref<1x80x128xi32, #tpu.memory_space<hbm>> -> memref<80x128xi32, #tpu.memory_space<hbm>>
      tpu.wait_dma2 semaphore(%run_scoped3A : memref<!tpu.dma_semaphore, #tpu.memory_space<semaphore_mem>>) src(%dma_wait3A_74 : memref<80x128xi32, #tpu.memory_space<hbm>>) dst(%arg8 : memref<80x128xi32, #tpu.memory_space<vmem>>)
      tpu.yield
    }) : () -> ()
    %dma_start3A = arith.constant 0 : i32
    %dma_start3A_3 = arith.constant 0 : i32
    %dma_start3A_4 = arith.constant 0 : i32
    %dma_start3A_5 = arith.constant 0 : i32
    %dma_start3A_6 = tpu.memref_slice %arg9[%dma_start3A_3, %dma_start3A_4, %dma_start3A_5] : memref<4x128x64xf32, #tpu.memory_space<vmem>> -> memref<1x128x64xf32, #tpu.memory_space<vmem>>
    %dma_start3A_7 = tpu.memref_squeeze %dma_start3A_6 : memref<1x128x64xf32, #tpu.memory_space<vmem>> -> memref<128x64xf32, #tpu.memory_space<vmem>>
    %dma_start3A_8 = arith.constant 0 : i32
    %dma_start3A_9 = tpu.memref_slice %arg7[%dma_start3A, %dma_start3A_8] : memref<80x128xi32, #tpu.memory_space<vmem>> -> memref<1x128xi32, #tpu.memory_space<vmem>>
    %dma_start3A_10 = tpu.memref_squeeze %dma_start3A_9 : memref<1x128xi32, #tpu.memory_space<vmem>> -> memref<128xi32, #tpu.memory_space<vmem>>
    %dma_start3A_11 = arith.constant 0 : i32
    %dma_start3A_12 = arith.constant 0 : i32
    %dma_start3A_13 = tpu.memref_slice %arg2[%dma_start3A_11, %dma_start3A_12] : memref<10240x64xf32, #tpu.memory_space<hbm>> -> memref<10240x64xf32, #tpu.memory_space<hbm>>
    tpu.enqueue_indirect_dma source(%dma_start3A_13 : memref<10240x64xf32, #tpu.memory_space<hbm>>) target(%dma_start3A_7 : memref<128x64xf32, #tpu.memory_space<vmem>>) offsets(%dma_start3A_10 : memref<128xi32, #tpu.memory_space<vmem>>) semaphore(%arg11 : memref<!tpu.dma_semaphore, #tpu.memory_space<semaphore_mem>>)
    %dma_start3A_14 = arith.constant 1 : i32
    %dma_start3A_15 = arith.constant 1 : i32
    %dma_start3A_16 = arith.constant 0 : i32
    %dma_start3A_17 = arith.constant 0 : i32
    %dma_start3A_18 = tpu.memref_slice %arg9[%dma_start3A_15, %dma_start3A_16, %dma_start3A_17] : memref<4x128x64xf32, #tpu.memory_space<vmem>> -> memref<1x128x64xf32, #tpu.memory_space<vmem>>
    %dma_start3A_19 = tpu.memref_squeeze %dma_start3A_18 : memref<1x128x64xf32, #tpu.memory_space<vmem>> -> memref<128x64xf32, #tpu.memory_space<vmem>>
    %dma_start3A_20 = arith.constant 0 : i32
    %dma_start3A_21 = tpu.memref_slice %arg7[%dma_start3A_14, %dma_start3A_20] : memref<80x128xi32, #tpu.memory_space<vmem>> -> memref<1x128xi32, #tpu.memory_space<vmem>>
    %dma_start3A_22 = tpu.memref_squeeze %dma_start3A_21 : memref<1x128xi32, #tpu.memory_space<vmem>> -> memref<128xi32, #tpu.memory_space<vmem>>
    %dma_start3A_23 = arith.constant 0 : i32
    %dma_start3A_24 = arith.constant 0 : i32
    %dma_start3A_25 = tpu.memref_slice %arg2[%dma_start3A_23, %dma_start3A_24] : memref<10240x64xf32, #tpu.memory_space<hbm>> -> memref<10240x64xf32, #tpu.memory_space<hbm>>
    tpu.enqueue_indirect_dma source(%dma_start3A_25 : memref<10240x64xf32, #tpu.memory_space<hbm>>) target(%dma_start3A_19 : memref<128x64xf32, #tpu.memory_space<vmem>>) offsets(%dma_start3A_22 : memref<128xi32, #tpu.memory_space<vmem>>) semaphore(%arg12 : memref<!tpu.dma_semaphore, #tpu.memory_space<semaphore_mem>>)
    %scan3A = arith.constant 0 : i32
    %scan3A_26 = arith.constant 0 : i32
    %scan3A_27 = arith.constant 20 : i32
    %scan3A_28 = arith.addi %scan3A_26, %scan3A_27 : i32
    %scan3A_29 = arith.constant 1 : i32
    scf.for %scan3A_59 = %scan3A_26 to %scan3A_28 step %scan3A_29  : i32 {
      %mul3A_60 = arith.constant 4 : i32
      %mul3A_61 = arith.muli %mul3A_60, %scan3A_59 : i32
      %add3A_62 = arith.constant 0 : i32
      %add3A_63 = arith.addi %mul3A_61, %add3A_62 : i32
      %dma_wait3A_64 = arith.constant 0 : i32
      %dma_wait3A_65 = arith.constant 0 : i32
      %dma_wait3A_66 = arith.constant 0 : i32
      %dma_wait3A_67 = tpu.memref_slice %arg9[%dma_wait3A_64, %dma_wait3A_65, %dma_wait3A_66] : memref<4x128x64xf32, #tpu.memory_space<vmem>> -> memref<1x128x64xf32, #tpu.memory_space<vmem>>
      %dma_wait3A_68 = tpu.memref_squeeze %dma_wait3A_67 : memref<1x128x64xf32, #tpu.memory_space<vmem>> -> memref<128x64xf32, #tpu.memory_space<vmem>>
      %dma_wait3A_69 = arith.constant 0 : i32
      %dma_wait3A_70 = tpu.memref_slice %arg7[%add3A_63, %dma_wait3A_69] : memref<80x128xi32, #tpu.memory_space<vmem>> -> memref<1x128xi32, #tpu.memory_space<vmem>>
      %dma_wait3A_71 = tpu.memref_squeeze %dma_wait3A_70 : memref<1x128xi32, #tpu.memory_space<vmem>> -> memref<128xi32, #tpu.memory_space<vmem>>
      %dma_wait3A_72 = arith.constant 0 : i32
      %dma_wait3A_73 = arith.constant 0 : i32
      %dma_wait3A_74 = tpu.memref_slice %arg2[%dma_wait3A_72, %dma_wait3A_73] : memref<10240x64xf32, #tpu.memory_space<hbm>> -> memref<10240x64xf32, #tpu.memory_space<hbm>>
      tpu.wait_indirect_dma semaphore(%arg11 : memref<!tpu.dma_semaphore, #tpu.memory_space<semaphore_mem>>) src(%dma_wait3A_74 : memref<10240x64xf32, #tpu.memory_space<hbm>>) dst(%dma_wait3A_68 : memref<128x64xf32, #tpu.memory_space<vmem>>)
      %dma_start3A_75 = arith.constant 0 : i32
      %dma_start3A_76 = arith.constant 0 : i32
      %dma_start3A_77 = arith.constant 0 : i32
      %dma_start3A_78 = tpu.memref_slice %arg9[%dma_start3A_75, %dma_start3A_76, %dma_start3A_77] : memref<4x128x64xf32, #tpu.memory_space<vmem>> -> memref<1x128x64xf32, #tpu.memory_space<vmem>>
      %dma_start3A_79 = tpu.memref_squeeze %dma_start3A_78 : memref<1x128x64xf32, #tpu.memory_space<vmem>> -> memref<128x64xf32, #tpu.memory_space<vmem>>
      %dma_start3A_80 = arith.constant 0 : i32
      %dma_start3A_81 = tpu.memref_slice %arg8[%add3A_63, %dma_start3A_80] : memref<80x128xi32, #tpu.memory_space<vmem>> -> memref<1x128xi32, #tpu.memory_space<vmem>>
      %dma_start3A_82 = tpu.memref_squeeze %dma_start3A_81 : memref<1x128xi32, #tpu.memory_space<vmem>> -> memref<128xi32, #tpu.memory_space<vmem>>
      %dma_start3A_83 = arith.constant 0 : i32
      %dma_start3A_84 = arith.constant 0 : i32
      %dma_start3A_85 = tpu.memref_slice %arg10[%dma_start3A_83, %dma_start3A_84] : memref<10240x64xf32, #tpu.memory_space<vmem_shared>> -> memref<10240x64xf32, #tpu.memory_space<vmem_shared>>
      tpu.enqueue_indirect_dma source(%dma_start3A_79 : memref<128x64xf32, #tpu.memory_space<vmem>>) target(%dma_start3A_85 : memref<10240x64xf32, #tpu.memory_space<vmem_shared>>) offsets(%dma_start3A_82 : memref<128xi32, #tpu.memory_space<vmem>>) semaphore(%arg15 : memref<!tpu.dma_semaphore, #tpu.memory_space<semaphore_mem>>) {add = true}
      %ge3A = arith.constant 2 : i32
      %ge3A_86 = arith.cmpi sge, %add3A_63, %ge3A : i32
      %convert_element_type3A = arith.extui %ge3A_86 : i1 to i32
      %cond3A = arith.constant 0 : i32
      %cond3A_87 = arith.cmpi ne, %convert_element_type3A, %cond3A : i32
      scf.if %cond3A_87 {
        %dma_wait3A_208 = arith.constant 2 : i32
        %dma_wait3A_209 = arith.constant 0 : i32
        %dma_wait3A_210 = arith.constant 0 : i32
        %dma_wait3A_211 = arith.constant 0 : i32
        %dma_wait3A_212 = tpu.memref_slice %arg9[%dma_wait3A_208, %dma_wait3A_210, %dma_wait3A_211] : memref<4x128x64xf32, #tpu.memory_space<vmem>> -> memref<1x128x64xf32, #tpu.memory_space<vmem>>
        %dma_wait3A_213 = tpu.memref_squeeze %dma_wait3A_212 : memref<1x128x64xf32, #tpu.memory_space<vmem>> -> memref<128x64xf32, #tpu.memory_space<vmem>>
        %dma_wait3A_214 = arith.constant 0 : i32
        %dma_wait3A_215 = tpu.memref_slice %arg8[%dma_wait3A_209, %dma_wait3A_214] : memref<80x128xi32, #tpu.memory_space<vmem>> -> memref<1x128xi32, #tpu.memory_space<vmem>>
        %dma_wait3A_216 = tpu.memref_squeeze %dma_wait3A_215 : memref<1x128xi32, #tpu.memory_space<vmem>> -> memref<128xi32, #tpu.memory_space<vmem>>
        %dma_wait3A_217 = arith.constant 0 : i32
        %dma_wait3A_218 = arith.constant 0 : i32
        %dma_wait3A_219 = tpu.memref_slice %arg10[%dma_wait3A_217, %dma_wait3A_218] : memref<10240x64xf32, #tpu.memory_space<vmem_shared>> -> memref<10240x64xf32, #tpu.memory_space<vmem_shared>>
        tpu.wait_indirect_dma semaphore(%arg17 : memref<!tpu.dma_semaphore, #tpu.memory_space<semaphore_mem>>) src(%dma_wait3A_213 : memref<128x64xf32, #tpu.memory_space<vmem>>) dst(%dma_wait3A_219 : memref<10240x64xf32, #tpu.memory_space<vmem_shared>>)
      } else {
      }
      %add3A_88 = arith.constant 2 : i32
      %add3A_89 = arith.addi %add3A_63, %add3A_88 : i32
      %lt3A = arith.constant 80 : i32
      %lt3A_90 = arith.cmpi slt, %add3A_89, %lt3A : i32
      %convert_element_type3A_91 = arith.extui %lt3A_90 : i1 to i32
      %cond3A_92 = arith.constant 0 : i32
      %cond3A_93 = arith.cmpi ne, %convert_element_type3A_91, %cond3A_92 : i32
      scf.if %cond3A_93 {
        %add3A_208 = arith.constant 2 : i32
        %add3A_209 = arith.addi %add3A_63, %add3A_208 : i32
        %dma_start3A_210 = arith.constant 2 : i32
        %dma_start3A_211 = arith.constant 0 : i32
        %dma_start3A_212 = arith.constant 0 : i32
        %dma_start3A_213 = tpu.memref_slice %arg9[%dma_start3A_210, %dma_start3A_211, %dma_start3A_212] : memref<4x128x64xf32, #tpu.memory_space<vmem>> -> memref<1x128x64xf32, #tpu.memory_space<vmem>>
        %dma_start3A_214 = tpu.memref_squeeze %dma_start3A_213 : memref<1x128x64xf32, #tpu.memory_space<vmem>> -> memref<128x64xf32, #tpu.memory_space<vmem>>
        %dma_start3A_215 = arith.constant 0 : i32
        %dma_start3A_216 = tpu.memref_slice %arg7[%add3A_209, %dma_start3A_215] : memref<80x128xi32, #tpu.memory_space<vmem>> -> memref<1x128xi32, #tpu.memory_space<vmem>>
        %dma_start3A_217 = tpu.memref_squeeze %dma_start3A_216 : memref<1x128xi32, #tpu.memory_space<vmem>> -> memref<128xi32, #tpu.memory_space<vmem>>
        %dma_start3A_218 = arith.constant 0 : i32
        %dma_start3A_219 = arith.constant 0 : i32
        %dma_start3A_220 = tpu.memref_slice %arg2[%dma_start3A_218, %dma_start3A_219] : memref<10240x64xf32, #tpu.memory_space<hbm>> -> memref<10240x64xf32, #tpu.memory_space<hbm>>
        tpu.enqueue_indirect_dma source(%dma_start3A_220 : memref<10240x64xf32, #tpu.memory_space<hbm>>) target(%dma_start3A_214 : memref<128x64xf32, #tpu.memory_space<vmem>>) offsets(%dma_start3A_217 : memref<128xi32, #tpu.memory_space<vmem>>) semaphore(%arg13 : memref<!tpu.dma_semaphore, #tpu.memory_space<semaphore_mem>>)
      } else {
      }
      %mul3A_94 = arith.constant 4 : i32
      %mul3A_95 = arith.muli %mul3A_94, %scan3A_59 : i32
      %add3A_96 = arith.constant 1 : i32
      %add3A_97 = arith.addi %mul3A_95, %add3A_96 : i32
      %dma_wait3A_98 = arith.constant 1 : i32
      %dma_wait3A_99 = arith.constant 0 : i32
      %dma_wait3A_100 = arith.constant 0 : i32
      %dma_wait3A_101 = tpu.memref_slice %arg9[%dma_wait3A_98, %dma_wait3A_99, %dma_wait3A_100] : memref<4x128x64xf32, #tpu.memory_space<vmem>> -> memref<1x128x64xf32, #tpu.memory_space<vmem>>
      %dma_wait3A_102 = tpu.memref_squeeze %dma_wait3A_101 : memref<1x128x64xf32, #tpu.memory_space<vmem>> -> memref<128x64xf32, #tpu.memory_space<vmem>>
      %dma_wait3A_103 = arith.constant 0 : i32
      %dma_wait3A_104 = tpu.memref_slice %arg7[%add3A_97, %dma_wait3A_103] : memref<80x128xi32, #tpu.memory_space<vmem>> -> memref<1x128xi32, #tpu.memory_space<vmem>>
      %dma_wait3A_105 = tpu.memref_squeeze %dma_wait3A_104 : memref<1x128xi32, #tpu.memory_space<vmem>> -> memref<128xi32, #tpu.memory_space<vmem>>
      %dma_wait3A_106 = arith.constant 0 : i32
      %dma_wait3A_107 = arith.constant 0 : i32
      %dma_wait3A_108 = tpu.memref_slice %arg2[%dma_wait3A_106, %dma_wait3A_107] : memref<10240x64xf32, #tpu.memory_space<hbm>> -> memref<10240x64xf32, #tpu.memory_space<hbm>>
      tpu.wait_indirect_dma semaphore(%arg12 : memref<!tpu.dma_semaphore, #tpu.memory_space<semaphore_mem>>) src(%dma_wait3A_108 : memref<10240x64xf32, #tpu.memory_space<hbm>>) dst(%dma_wait3A_102 : memref<128x64xf32, #tpu.memory_space<vmem>>)
      %dma_start3A_109 = arith.constant 1 : i32
      %dma_start3A_110 = arith.constant 0 : i32
      %dma_start3A_111 = arith.constant 0 : i32
      %dma_start3A_112 = tpu.memref_slice %arg9[%dma_start3A_109, %dma_start3A_110, %dma_start3A_111] : memref<4x128x64xf32, #tpu.memory_space<vmem>> -> memref<1x128x64xf32, #tpu.memory_space<vmem>>
      %dma_start3A_113 = tpu.memref_squeeze %dma_start3A_112 : memref<1x128x64xf32, #tpu.memory_space<vmem>> -> memref<128x64xf32, #tpu.memory_space<vmem>>
      %dma_start3A_114 = arith.constant 0 : i32
      %dma_start3A_115 = tpu.memref_slice %arg8[%add3A_97, %dma_start3A_114] : memref<80x128xi32, #tpu.memory_space<vmem>> -> memref<1x128xi32, #tpu.memory_space<vmem>>
      %dma_start3A_116 = tpu.memref_squeeze %dma_start3A_115 : memref<1x128xi32, #tpu.memory_space<vmem>> -> memref<128xi32, #tpu.memory_space<vmem>>
      %dma_start3A_117 = arith.constant 0 : i32
      %dma_start3A_118 = arith.constant 0 : i32
      %dma_start3A_119 = tpu.memref_slice %arg10[%dma_start3A_117, %dma_start3A_118] : memref<10240x64xf32, #tpu.memory_space<vmem_shared>> -> memref<10240x64xf32, #tpu.memory_space<vmem_shared>>
      tpu.enqueue_indirect_dma source(%dma_start3A_113 : memref<128x64xf32, #tpu.memory_space<vmem>>) target(%dma_start3A_119 : memref<10240x64xf32, #tpu.memory_space<vmem_shared>>) offsets(%dma_start3A_116 : memref<128xi32, #tpu.memory_space<vmem>>) semaphore(%arg16 : memref<!tpu.dma_semaphore, #tpu.memory_space<semaphore_mem>>) {add = true}
      %ge3A_120 = arith.constant 2 : i32
      %ge3A_121 = arith.cmpi sge, %add3A_97, %ge3A_120 : i32
      %convert_element_type3A_122 = arith.extui %ge3A_121 : i1 to i32
      %cond3A_123 = arith.constant 0 : i32
      %cond3A_124 = arith.cmpi ne, %convert_element_type3A_122, %cond3A_123 : i32
      scf.if %cond3A_124 {
        %dma_wait3A_208 = arith.constant 3 : i32
        %dma_wait3A_209 = arith.constant 0 : i32
        %dma_wait3A_210 = arith.constant 0 : i32
        %dma_wait3A_211 = arith.constant 0 : i32
        %dma_wait3A_212 = tpu.memref_slice %arg9[%dma_wait3A_208, %dma_wait3A_210, %dma_wait3A_211] : memref<4x128x64xf32, #tpu.memory_space<vmem>> -> memref<1x128x64xf32, #tpu.memory_space<vmem>>
        %dma_wait3A_213 = tpu.memref_squeeze %dma_wait3A_212 : memref<1x128x64xf32, #tpu.memory_space<vmem>> -> memref<128x64xf32, #tpu.memory_space<vmem>>
        %dma_wait3A_214 = arith.constant 0 : i32
        %dma_wait3A_215 = tpu.memref_slice %arg8[%dma_wait3A_209, %dma_wait3A_214] : memref<80x128xi32, #tpu.memory_space<vmem>> -> memref<1x128xi32, #tpu.memory_space<vmem>>
        %dma_wait3A_216 = tpu.memref_squeeze %dma_wait3A_215 : memref<1x128xi32, #tpu.memory_space<vmem>> -> memref<128xi32, #tpu.memory_space<vmem>>
        %dma_wait3A_217 = arith.constant 0 : i32
        %dma_wait3A_218 = arith.constant 0 : i32
        %dma_wait3A_219 = tpu.memref_slice %arg10[%dma_wait3A_217, %dma_wait3A_218] : memref<10240x64xf32, #tpu.memory_space<vmem_shared>> -> memref<10240x64xf32, #tpu.memory_space<vmem_shared>>
        tpu.wait_indirect_dma semaphore(%arg18 : memref<!tpu.dma_semaphore, #tpu.memory_space<semaphore_mem>>) src(%dma_wait3A_213 : memref<128x64xf32, #tpu.memory_space<vmem>>) dst(%dma_wait3A_219 : memref<10240x64xf32, #tpu.memory_space<vmem_shared>>)
      } else {
      }
      %add3A_125 = arith.constant 2 : i32
      %add3A_126 = arith.addi %add3A_97, %add3A_125 : i32
      %lt3A_127 = arith.constant 80 : i32
      %lt3A_128 = arith.cmpi slt, %add3A_126, %lt3A_127 : i32
      %convert_element_type3A_129 = arith.extui %lt3A_128 : i1 to i32
      %cond3A_130 = arith.constant 0 : i32
      %cond3A_131 = arith.cmpi ne, %convert_element_type3A_129, %cond3A_130 : i32
      scf.if %cond3A_131 {
        %add3A_208 = arith.constant 2 : i32
        %add3A_209 = arith.addi %add3A_97, %add3A_208 : i32
        %dma_start3A_210 = arith.constant 3 : i32
        %dma_start3A_211 = arith.constant 0 : i32
        %dma_start3A_212 = arith.constant 0 : i32
        %dma_start3A_213 = tpu.memref_slice %arg9[%dma_start3A_210, %dma_start3A_211, %dma_start3A_212] : memref<4x128x64xf32, #tpu.memory_space<vmem>> -> memref<1x128x64xf32, #tpu.memory_space<vmem>>
        %dma_start3A_214 = tpu.memref_squeeze %dma_start3A_213 : memref<1x128x64xf32, #tpu.memory_space<vmem>> -> memref<128x64xf32, #tpu.memory_space<vmem>>
        %dma_start3A_215 = arith.constant 0 : i32
        %dma_start3A_216 = tpu.memref_slice %arg7[%add3A_209, %dma_start3A_215] : memref<80x128xi32, #tpu.memory_space<vmem>> -> memref<1x128xi32, #tpu.memory_space<vmem>>
        %dma_start3A_217 = tpu.memref_squeeze %dma_start3A_216 : memref<1x128xi32, #tpu.memory_space<vmem>> -> memref<128xi32, #tpu.memory_space<vmem>>
        %dma_start3A_218 = arith.constant 0 : i32
        %dma_start3A_219 = arith.constant 0 : i32
        %dma_start3A_220 = tpu.memref_slice %arg2[%dma_start3A_218, %dma_start3A_219] : memref<10240x64xf32, #tpu.memory_space<hbm>> -> memref<10240x64xf32, #tpu.memory_space<hbm>>
        tpu.enqueue_indirect_dma source(%dma_start3A_220 : memref<10240x64xf32, #tpu.memory_space<hbm>>) target(%dma_start3A_214 : memref<128x64xf32, #tpu.memory_space<vmem>>) offsets(%dma_start3A_217 : memref<128xi32, #tpu.memory_space<vmem>>) semaphore(%arg14 : memref<!tpu.dma_semaphore, #tpu.memory_space<semaphore_mem>>)
      } else {
      }
      %mul3A_132 = arith.constant 4 : i32
      %mul3A_133 = arith.muli %mul3A_132, %scan3A_59 : i32
      %add3A_134 = arith.constant 2 : i32
      %add3A_135 = arith.addi %mul3A_133, %add3A_134 : i32
      %dma_wait3A_136 = arith.constant 2 : i32
      %dma_wait3A_137 = arith.constant 0 : i32
      %dma_wait3A_138 = arith.constant 0 : i32
      %dma_wait3A_139 = tpu.memref_slice %arg9[%dma_wait3A_136, %dma_wait3A_137, %dma_wait3A_138] : memref<4x128x64xf32, #tpu.memory_space<vmem>> -> memref<1x128x64xf32, #tpu.memory_space<vmem>>
      %dma_wait3A_140 = tpu.memref_squeeze %dma_wait3A_139 : memref<1x128x64xf32, #tpu.memory_space<vmem>> -> memref<128x64xf32, #tpu.memory_space<vmem>>
      %dma_wait3A_141 = arith.constant 0 : i32
      %dma_wait3A_142 = tpu.memref_slice %arg7[%add3A_135, %dma_wait3A_141] : memref<80x128xi32, #tpu.memory_space<vmem>> -> memref<1x128xi32, #tpu.memory_space<vmem>>
      %dma_wait3A_143 = tpu.memref_squeeze %dma_wait3A_142 : memref<1x128xi32, #tpu.memory_space<vmem>> -> memref<128xi32, #tpu.memory_space<vmem>>
      %dma_wait3A_144 = arith.constant 0 : i32
      %dma_wait3A_145 = arith.constant 0 : i32
      %dma_wait3A_146 = tpu.memref_slice %arg2[%dma_wait3A_144, %dma_wait3A_145] : memref<10240x64xf32, #tpu.memory_space<hbm>> -> memref<10240x64xf32, #tpu.memory_space<hbm>>
      tpu.wait_indirect_dma semaphore(%arg13 : memref<!tpu.dma_semaphore, #tpu.memory_space<semaphore_mem>>) src(%dma_wait3A_146 : memref<10240x64xf32, #tpu.memory_space<hbm>>) dst(%dma_wait3A_140 : memref<128x64xf32, #tpu.memory_space<vmem>>)
      %dma_start3A_147 = arith.constant 2 : i32
      %dma_start3A_148 = arith.constant 0 : i32
      %dma_start3A_149 = arith.constant 0 : i32
      %dma_start3A_150 = tpu.memref_slice %arg9[%dma_start3A_147, %dma_start3A_148, %dma_start3A_149] : memref<4x128x64xf32, #tpu.memory_space<vmem>> -> memref<1x128x64xf32, #tpu.memory_space<vmem>>
      %dma_start3A_151 = tpu.memref_squeeze %dma_start3A_150 : memref<1x128x64xf32, #tpu.memory_space<vmem>> -> memref<128x64xf32, #tpu.memory_space<vmem>>
      %dma_start3A_152 = arith.constant 0 : i32
      %dma_start3A_153 = tpu.memref_slice %arg8[%add3A_135, %dma_start3A_152] : memref<80x128xi32, #tpu.memory_space<vmem>> -> memref<1x128xi32, #tpu.memory_space<vmem>>
      %dma_start3A_154 = tpu.memref_squeeze %dma_start3A_153 : memref<1x128xi32, #tpu.memory_space<vmem>> -> memref<128xi32, #tpu.memory_space<vmem>>
      %dma_start3A_155 = arith.constant 0 : i32
      %dma_start3A_156 = arith.constant 0 : i32
      %dma_start3A_157 = tpu.memref_slice %arg10[%dma_start3A_155, %dma_start3A_156] : memref<10240x64xf32, #tpu.memory_space<vmem_shared>> -> memref<10240x64xf32, #tpu.memory_space<vmem_shared>>
      tpu.enqueue_indirect_dma source(%dma_start3A_151 : memref<128x64xf32, #tpu.memory_space<vmem>>) target(%dma_start3A_157 : memref<10240x64xf32, #tpu.memory_space<vmem_shared>>) offsets(%dma_start3A_154 : memref<128xi32, #tpu.memory_space<vmem>>) semaphore(%arg17 : memref<!tpu.dma_semaphore, #tpu.memory_space<semaphore_mem>>) {add = true}
      %ge3A_158 = arith.constant 2 : i32
      %ge3A_159 = arith.cmpi sge, %add3A_135, %ge3A_158 : i32
      %convert_element_type3A_160 = arith.extui %ge3A_159 : i1 to i32
      %cond3A_161 = arith.constant 0 : i32
      %cond3A_162 = arith.cmpi ne, %convert_element_type3A_160, %cond3A_161 : i32
      scf.if %cond3A_162 {
        %dma_wait3A_208 = arith.constant 0 : i32
        %dma_wait3A_209 = arith.constant 0 : i32
        %dma_wait3A_210 = arith.constant 0 : i32
        %dma_wait3A_211 = arith.constant 0 : i32
        %dma_wait3A_212 = tpu.memref_slice %arg9[%dma_wait3A_208, %dma_wait3A_210, %dma_wait3A_211] : memref<4x128x64xf32, #tpu.memory_space<vmem>> -> memref<1x128x64xf32, #tpu.memory_space<vmem>>
        %dma_wait3A_213 = tpu.memref_squeeze %dma_wait3A_212 : memref<1x128x64xf32, #tpu.memory_space<vmem>> -> memref<128x64xf32, #tpu.memory_space<vmem>>
        %dma_wait3A_214 = arith.constant 0 : i32
        %dma_wait3A_215 = tpu.memref_slice %arg8[%dma_wait3A_209, %dma_wait3A_214] : memref<80x128xi32, #tpu.memory_space<vmem>> -> memref<1x128xi32, #tpu.memory_space<vmem>>
        %dma_wait3A_216 = tpu.memref_squeeze %dma_wait3A_215 : memref<1x128xi32, #tpu.memory_space<vmem>> -> memref<128xi32, #tpu.memory_space<vmem>>
        %dma_wait3A_217 = arith.constant 0 : i32
        %dma_wait3A_218 = arith.constant 0 : i32
        %dma_wait3A_219 = tpu.memref_slice %arg10[%dma_wait3A_217, %dma_wait3A_218] : memref<10240x64xf32, #tpu.memory_space<vmem_shared>> -> memref<10240x64xf32, #tpu.memory_space<vmem_shared>>
        tpu.wait_indirect_dma semaphore(%arg15 : memref<!tpu.dma_semaphore, #tpu.memory_space<semaphore_mem>>) src(%dma_wait3A_213 : memref<128x64xf32, #tpu.memory_space<vmem>>) dst(%dma_wait3A_219 : memref<10240x64xf32, #tpu.memory_space<vmem_shared>>)
      } else {
      }
      %add3A_163 = arith.constant 2 : i32
      %add3A_164 = arith.addi %add3A_135, %add3A_163 : i32
      %lt3A_165 = arith.constant 80 : i32
      %lt3A_166 = arith.cmpi slt, %add3A_164, %lt3A_165 : i32
      %convert_element_type3A_167 = arith.extui %lt3A_166 : i1 to i32
      %cond3A_168 = arith.constant 0 : i32
      %cond3A_169 = arith.cmpi ne, %convert_element_type3A_167, %cond3A_168 : i32
      scf.if %cond3A_169 {
        %add3A_208 = arith.constant 2 : i32
        %add3A_209 = arith.addi %add3A_135, %add3A_208 : i32
        %dma_start3A_210 = arith.constant 0 : i32
        %dma_start3A_211 = arith.constant 0 : i32
        %dma_start3A_212 = arith.constant 0 : i32
        %dma_start3A_213 = tpu.memref_slice %arg9[%dma_start3A_210, %dma_start3A_211, %dma_start3A_212] : memref<4x128x64xf32, #tpu.memory_space<vmem>> -> memref<1x128x64xf32, #tpu.memory_space<vmem>>
        %dma_start3A_214 = tpu.memref_squeeze %dma_start3A_213 : memref<1x128x64xf32, #tpu.memory_space<vmem>> -> memref<128x64xf32, #tpu.memory_space<vmem>>
        %dma_start3A_215 = arith.constant 0 : i32
        %dma_start3A_216 = tpu.memref_slice %arg7[%add3A_209, %dma_start3A_215] : memref<80x128xi32, #tpu.memory_space<vmem>> -> memref<1x128xi32, #tpu.memory_space<vmem>>
        %dma_start3A_217 = tpu.memref_squeeze %dma_start3A_216 : memref<1x128xi32, #tpu.memory_space<vmem>> -> memref<128xi32, #tpu.memory_space<vmem>>
        %dma_start3A_218 = arith.constant 0 : i32
        %dma_start3A_219 = arith.constant 0 : i32
        %dma_start3A_220 = tpu.memref_slice %arg2[%dma_start3A_218, %dma_start3A_219] : memref<10240x64xf32, #tpu.memory_space<hbm>> -> memref<10240x64xf32, #tpu.memory_space<hbm>>
        tpu.enqueue_indirect_dma source(%dma_start3A_220 : memref<10240x64xf32, #tpu.memory_space<hbm>>) target(%dma_start3A_214 : memref<128x64xf32, #tpu.memory_space<vmem>>) offsets(%dma_start3A_217 : memref<128xi32, #tpu.memory_space<vmem>>) semaphore(%arg11 : memref<!tpu.dma_semaphore, #tpu.memory_space<semaphore_mem>>)
      } else {
      }
      %mul3A_170 = arith.constant 4 : i32
      %mul3A_171 = arith.muli %mul3A_170, %scan3A_59 : i32
      %add3A_172 = arith.constant 3 : i32
      %add3A_173 = arith.addi %mul3A_171, %add3A_172 : i32
      %dma_wait3A_174 = arith.constant 3 : i32
      %dma_wait3A_175 = arith.constant 0 : i32
      %dma_wait3A_176 = arith.constant 0 : i32
      %dma_wait3A_177 = tpu.memref_slice %arg9[%dma_wait3A_174, %dma_wait3A_175, %dma_wait3A_176] : memref<4x128x64xf32, #tpu.memory_space<vmem>> -> memref<1x128x64xf32, #tpu.memory_space<vmem>>
      %dma_wait3A_178 = tpu.memref_squeeze %dma_wait3A_177 : memref<1x128x64xf32, #tpu.memory_space<vmem>> -> memref<128x64xf32, #tpu.memory_space<vmem>>
      %dma_wait3A_179 = arith.constant 0 : i32
      %dma_wait3A_180 = tpu.memref_slice %arg7[%add3A_173, %dma_wait3A_179] : memref<80x128xi32, #tpu.memory_space<vmem>> -> memref<1x128xi32, #tpu.memory_space<vmem>>
      %dma_wait3A_181 = tpu.memref_squeeze %dma_wait3A_180 : memref<1x128xi32, #tpu.memory_space<vmem>> -> memref<128xi32, #tpu.memory_space<vmem>>
      %dma_wait3A_182 = arith.constant 0 : i32
      %dma_wait3A_183 = arith.constant 0 : i32
      %dma_wait3A_184 = tpu.memref_slice %arg2[%dma_wait3A_182, %dma_wait3A_183] : memref<10240x64xf32, #tpu.memory_space<hbm>> -> memref<10240x64xf32, #tpu.memory_space<hbm>>
      tpu.wait_indirect_dma semaphore(%arg14 : memref<!tpu.dma_semaphore, #tpu.memory_space<semaphore_mem>>) src(%dma_wait3A_184 : memref<10240x64xf32, #tpu.memory_space<hbm>>) dst(%dma_wait3A_178 : memref<128x64xf32, #tpu.memory_space<vmem>>)
      %dma_start3A_185 = arith.constant 3 : i32
      %dma_start3A_186 = arith.constant 0 : i32
      %dma_start3A_187 = arith.constant 0 : i32
      %dma_start3A_188 = tpu.memref_slice %arg9[%dma_start3A_185, %dma_start3A_186, %dma_start3A_187] : memref<4x128x64xf32, #tpu.memory_space<vmem>> -> memref<1x128x64xf32, #tpu.memory_space<vmem>>
      %dma_start3A_189 = tpu.memref_squeeze %dma_start3A_188 : memref<1x128x64xf32, #tpu.memory_space<vmem>> -> memref<128x64xf32, #tpu.memory_space<vmem>>
      %dma_start3A_190 = arith.constant 0 : i32
      %dma_start3A_191 = tpu.memref_slice %arg8[%add3A_173, %dma_start3A_190] : memref<80x128xi32, #tpu.memory_space<vmem>> -> memref<1x128xi32, #tpu.memory_space<vmem>>
      %dma_start3A_192 = tpu.memref_squeeze %dma_start3A_191 : memref<1x128xi32, #tpu.memory_space<vmem>> -> memref<128xi32, #tpu.memory_space<vmem>>
      %dma_start3A_193 = arith.constant 0 : i32
      %dma_start3A_194 = arith.constant 0 : i32
      %dma_start3A_195 = tpu.memref_slice %arg10[%dma_start3A_193, %dma_start3A_194] : memref<10240x64xf32, #tpu.memory_space<vmem_shared>> -> memref<10240x64xf32, #tpu.memory_space<vmem_shared>>
      tpu.enqueue_indirect_dma source(%dma_start3A_189 : memref<128x64xf32, #tpu.memory_space<vmem>>) target(%dma_start3A_195 : memref<10240x64xf32, #tpu.memory_space<vmem_shared>>) offsets(%dma_start3A_192 : memref<128xi32, #tpu.memory_space<vmem>>) semaphore(%arg18 : memref<!tpu.dma_semaphore, #tpu.memory_space<semaphore_mem>>) {add = true}
      %ge3A_196 = arith.constant 2 : i32
      %ge3A_197 = arith.cmpi sge, %add3A_173, %ge3A_196 : i32
      %convert_element_type3A_198 = arith.extui %ge3A_197 : i1 to i32
      %cond3A_199 = arith.constant 0 : i32
      %cond3A_200 = arith.cmpi ne, %convert_element_type3A_198, %cond3A_199 : i32
      scf.if %cond3A_200 {
        %dma_wait3A_208 = arith.constant 1 : i32
        %dma_wait3A_209 = arith.constant 0 : i32
        %dma_wait3A_210 = arith.constant 0 : i32
        %dma_wait3A_211 = arith.constant 0 : i32
        %dma_wait3A_212 = tpu.memref_slice %arg9[%dma_wait3A_208, %dma_wait3A_210, %dma_wait3A_211] : memref<4x128x64xf32, #tpu.memory_space<vmem>> -> memref<1x128x64xf32, #tpu.memory_space<vmem>>
        %dma_wait3A_213 = tpu.memref_squeeze %dma_wait3A_212 : memref<1x128x64xf32, #tpu.memory_space<vmem>> -> memref<128x64xf32, #tpu.memory_space<vmem>>
        %dma_wait3A_214 = arith.constant 0 : i32
        %dma_wait3A_215 = tpu.memref_slice %arg8[%dma_wait3A_209, %dma_wait3A_214] : memref<80x128xi32, #tpu.memory_space<vmem>> -> memref<1x128xi32, #tpu.memory_space<vmem>>
        %dma_wait3A_216 = tpu.memref_squeeze %dma_wait3A_215 : memref<1x128xi32, #tpu.memory_space<vmem>> -> memref<128xi32, #tpu.memory_space<vmem>>
        %dma_wait3A_217 = arith.constant 0 : i32
        %dma_wait3A_218 = arith.constant 0 : i32
        %dma_wait3A_219 = tpu.memref_slice %arg10[%dma_wait3A_217, %dma_wait3A_218] : memref<10240x64xf32, #tpu.memory_space<vmem_shared>> -> memref<10240x64xf32, #tpu.memory_space<vmem_shared>>
        tpu.wait_indirect_dma semaphore(%arg16 : memref<!tpu.dma_semaphore, #tpu.memory_space<semaphore_mem>>) src(%dma_wait3A_213 : memref<128x64xf32, #tpu.memory_space<vmem>>) dst(%dma_wait3A_219 : memref<10240x64xf32, #tpu.memory_space<vmem_shared>>)
      } else {
      }
      %add3A_201 = arith.constant 2 : i32
      %add3A_202 = arith.addi %add3A_173, %add3A_201 : i32
      %lt3A_203 = arith.constant 80 : i32
      %lt3A_204 = arith.cmpi slt, %add3A_202, %lt3A_203 : i32
      %convert_element_type3A_205 = arith.extui %lt3A_204 : i1 to i32
      %cond3A_206 = arith.constant 0 : i32
      %cond3A_207 = arith.cmpi ne, %convert_element_type3A_205, %cond3A_206 : i32
      scf.if %cond3A_207 {
        %add3A_208 = arith.constant 2 : i32
        %add3A_209 = arith.addi %add3A_173, %add3A_208 : i32
        %dma_start3A_210 = arith.constant 1 : i32
        %dma_start3A_211 = arith.constant 0 : i32
        %dma_start3A_212 = arith.constant 0 : i32
        %dma_start3A_213 = tpu.memref_slice %arg9[%dma_start3A_210, %dma_start3A_211, %dma_start3A_212] : memref<4x128x64xf32, #tpu.memory_space<vmem>> -> memref<1x128x64xf32, #tpu.memory_space<vmem>>
        %dma_start3A_214 = tpu.memref_squeeze %dma_start3A_213 : memref<1x128x64xf32, #tpu.memory_space<vmem>> -> memref<128x64xf32, #tpu.memory_space<vmem>>
        %dma_start3A_215 = arith.constant 0 : i32
        %dma_start3A_216 = tpu.memref_slice %arg7[%add3A_209, %dma_start3A_215] : memref<80x128xi32, #tpu.memory_space<vmem>> -> memref<1x128xi32, #tpu.memory_space<vmem>>
        %dma_start3A_217 = tpu.memref_squeeze %dma_start3A_216 : memref<1x128xi32, #tpu.memory_space<vmem>> -> memref<128xi32, #tpu.memory_space<vmem>>
        %dma_start3A_218 = arith.constant 0 : i32
        %dma_start3A_219 = arith.constant 0 : i32
        %dma_start3A_220 = tpu.memref_slice %arg2[%dma_start3A_218, %dma_start3A_219] : memref<10240x64xf32, #tpu.memory_space<hbm>> -> memref<10240x64xf32, #tpu.memory_space<hbm>>
        tpu.enqueue_indirect_dma source(%dma_start3A_220 : memref<10240x64xf32, #tpu.memory_space<hbm>>) target(%dma_start3A_214 : memref<128x64xf32, #tpu.memory_space<vmem>>) offsets(%dma_start3A_217 : memref<128xi32, #tpu.memory_space<vmem>>) semaphore(%arg12 : memref<!tpu.dma_semaphore, #tpu.memory_space<semaphore_mem>>)
      } else {
      }
    }
    %scan3A_30 = arith.constant 20 : i32
    %dma_wait3A = arith.constant 2 : i32
    %dma_wait3A_31 = arith.constant 0 : i32
    %dma_wait3A_32 = arith.constant 0 : i32
    %dma_wait3A_33 = arith.constant 0 : i32
    %dma_wait3A_34 = tpu.memref_slice %arg9[%dma_wait3A, %dma_wait3A_32, %dma_wait3A_33] : memref<4x128x64xf32, #tpu.memory_space<vmem>> -> memref<1x128x64xf32, #tpu.memory_space<vmem>>
    %dma_wait3A_35 = tpu.memref_squeeze %dma_wait3A_34 : memref<1x128x64xf32, #tpu.memory_space<vmem>> -> memref<128x64xf32, #tpu.memory_space<vmem>>
    %dma_wait3A_36 = arith.constant 0 : i32
    %dma_wait3A_37 = tpu.memref_slice %arg8[%dma_wait3A_31, %dma_wait3A_36] : memref<80x128xi32, #tpu.memory_space<vmem>> -> memref<1x128xi32, #tpu.memory_space<vmem>>
    %dma_wait3A_38 = tpu.memref_squeeze %dma_wait3A_37 : memref<1x128xi32, #tpu.memory_space<vmem>> -> memref<128xi32, #tpu.memory_space<vmem>>
    %dma_wait3A_39 = arith.constant 0 : i32
    %dma_wait3A_40 = arith.constant 0 : i32
    %dma_wait3A_41 = tpu.memref_slice %arg10[%dma_wait3A_39, %dma_wait3A_40] : memref<10240x64xf32, #tpu.memory_space<vmem_shared>> -> memref<10240x64xf32, #tpu.memory_space<vmem_shared>>
    tpu.wait_indirect_dma semaphore(%arg17 : memref<!tpu.dma_semaphore, #tpu.memory_space<semaphore_mem>>) src(%dma_wait3A_35 : memref<128x64xf32, #tpu.memory_space<vmem>>) dst(%dma_wait3A_41 : memref<10240x64xf32, #tpu.memory_space<vmem_shared>>)
    %dma_wait3A_42 = arith.constant 3 : i32
    %dma_wait3A_43 = arith.constant 0 : i32
    %dma_wait3A_44 = arith.constant 0 : i32
    %dma_wait3A_45 = arith.constant 0 : i32
    %dma_wait3A_46 = tpu.memref_slice %arg9[%dma_wait3A_42, %dma_wait3A_44, %dma_wait3A_45] : memref<4x128x64xf32, #tpu.memory_space<vmem>> -> memref<1x128x64xf32, #tpu.memory_space<vmem>>
    %dma_wait3A_47 = tpu.memref_squeeze %dma_wait3A_46 : memref<1x128x64xf32, #tpu.memory_space<vmem>> -> memref<128x64xf32, #tpu.memory_space<vmem>>
    %dma_wait3A_48 = arith.constant 0 : i32
    %dma_wait3A_49 = tpu.memref_slice %arg8[%dma_wait3A_43, %dma_wait3A_48] : memref<80x128xi32, #tpu.memory_space<vmem>> -> memref<1x128xi32, #tpu.memory_space<vmem>>
    %dma_wait3A_50 = tpu.memref_squeeze %dma_wait3A_49 : memref<1x128xi32, #tpu.memory_space<vmem>> -> memref<128xi32, #tpu.memory_space<vmem>>
    %dma_wait3A_51 = arith.constant 0 : i32
    %dma_wait3A_52 = arith.constant 0 : i32
    %dma_wait3A_53 = tpu.memref_slice %arg10[%dma_wait3A_51, %dma_wait3A_52] : memref<10240x64xf32, #tpu.memory_space<vmem_shared>> -> memref<10240x64xf32, #tpu.memory_space<vmem_shared>>
    tpu.wait_indirect_dma semaphore(%arg18 : memref<!tpu.dma_semaphore, #tpu.memory_space<semaphore_mem>>) src(%dma_wait3A_47 : memref<128x64xf32, #tpu.memory_space<vmem>>) dst(%dma_wait3A_53 : memref<10240x64xf32, #tpu.memory_space<vmem_shared>>)
    %barrier3A_54 = arith.constant 0 : index
    tpu.barrier barrier_id(%barrier3A_54)
    %mul3A_55 = arith.constant 640 : i32
    %mul3A_56 = arith.muli %arg1, %mul3A_55 : i32
    %mul3A_57 = arith.constant 640 : i32
    %mul3A_58 = arith.muli %arg1, %mul3A_57 : i32
    "tpu.region"() ({
      %run_scoped3A = tpu.sem_alloc : memref<!tpu.dma_semaphore, #tpu.memory_space<semaphore_mem>>
      %dma_start3A_59 = arith.constant 0 : i32
      %dma_start3A_60 = tpu.memref_slice %arg6[%arg0, %mul3A_58, %dma_start3A_59] : memref<2x10240x64xf32, #tpu.memory_space<hbm>> -> memref<1x640x64xf32, #tpu.memory_space<hbm>>
      %dma_start3A_61 = tpu.memref_squeeze %dma_start3A_60 : memref<1x640x64xf32, #tpu.memory_space<hbm>> -> memref<640x64xf32, #tpu.memory_space<hbm>>
      %dma_start3A_62 = arith.constant 0 : i32
      %dma_start3A_63 = tpu.memref_slice %arg10[%mul3A_56, %dma_start3A_62] : memref<10240x64xf32, #tpu.memory_space<vmem_shared>> -> memref<640x64xf32, #tpu.memory_space<vmem_shared>>
      tpu.enqueue_dma source(%dma_start3A_63 : memref<640x64xf32, #tpu.memory_space<vmem_shared>>) target(%dma_start3A_61 : memref<640x64xf32, #tpu.memory_space<hbm>>) target_semaphore(%run_scoped3A : memref<!tpu.dma_semaphore, #tpu.memory_space<semaphore_mem>>)
      %dma_wait3A_64 = arith.constant 0 : i32
      %dma_wait3A_65 = tpu.memref_slice %arg6[%arg0, %mul3A_58, %dma_wait3A_64] : memref<2x10240x64xf32, #tpu.memory_space<hbm>> -> memref<1x640x64xf32, #tpu.memory_space<hbm>>
      %dma_wait3A_66 = tpu.memref_squeeze %dma_wait3A_65 : memref<1x640x64xf32, #tpu.memory_space<hbm>> -> memref<640x64xf32, #tpu.memory_space<hbm>>
      %dma_wait3A_67 = arith.constant 0 : i32
      %dma_wait3A_68 = tpu.memref_slice %arg10[%mul3A_56, %dma_wait3A_67] : memref<10240x64xf32, #tpu.memory_space<vmem_shared>> -> memref<640x64xf32, #tpu.memory_space<vmem_shared>>
      tpu.wait_dma2 semaphore(%run_scoped3A : memref<!tpu.dma_semaphore, #tpu.memory_space<semaphore_mem>>) src(%dma_wait3A_68 : memref<640x64xf32, #tpu.memory_space<vmem_shared>>) dst(%dma_wait3A_66 : memref<640x64xf32, #tpu.memory_space<hbm>>)
      tpu.yield
    }) : () -> ()
    return
  }
}

#map = affine_map<(d0, d1) -> (0, 0)>
#map1 = affine_map<(d0, d1) -> (0, 0, 0)>
module attributes {stable_mosaic.version = 14 : i64} {
  func.func @_mp(%arg0: i32, %arg1: i32, %arg2: memref<10240x128xf32, #tpu.memory_space<hbm>>, %arg3: memref<32x80x128xi32, #tpu.memory_space<hbm>>, %arg4: memref<32x80x128xi32, #tpu.memory_space<hbm>>, %arg5: memref<640x128xf32, #tpu.memory_space<hbm>>, %arg6: memref<2x10240x128xf32, #tpu.memory_space<hbm>>, %arg7: memref<40x128xi32, #tpu.memory_space<vmem>>, %arg8: memref<40x128xi32, #tpu.memory_space<vmem>>, %arg9: memref<2x128x128xf32, #tpu.memory_space<vmem>>, %arg10: memref<10240x128xf32, #tpu.memory_space<vmem_shared>>, %arg11: memref<!tpu.dma_semaphore, #tpu.memory_space<semaphore_mem>>, %arg12: memref<!tpu.dma_semaphore, #tpu.memory_space<semaphore_mem>>, %arg13: memref<!tpu.dma_semaphore, #tpu.memory_space<semaphore_mem>>, %arg14: memref<!tpu.dma_semaphore, #tpu.memory_space<semaphore_mem>>) attributes {dimension_semantics = [#tpu.dimension_semantics<core_parallel>, #tpu.dimension_semantics<subcore_parallel>], iteration_bounds = array<i64: 2, 16>, scalar_prefetch = 0 : i64, scratch_operands = 8 : i64, tpu.core_type = #tpu.core_type<sc_vector_subcore>, window_params = [{transform_indices = #map}, {transform_indices = #map1}, {transform_indices = #map1}, {transform_indices = #map}, {transform_indices = #map1}]} {
    %mul3A = arith.constant 16 : i32
    %mul3A_0 = arith.muli %arg0, %mul3A : i32
    %add3A = arith.addi %mul3A_0, %arg1 : i32
    %mul3A_1 = arith.constant 640 : i32
    %mul3A_2 = arith.muli %arg1, %mul3A_1 : i32
    "tpu.region"() ({
      %run_scoped3A = tpu.sem_alloc : memref<!tpu.dma_semaphore, #tpu.memory_space<semaphore_mem>>
      %dma_start3A_66 = arith.constant 0 : i32
      %dma_start3A_67 = tpu.memref_slice %arg10[%mul3A_2, %dma_start3A_66] : memref<10240x128xf32, #tpu.memory_space<vmem_shared>> -> memref<640x128xf32, #tpu.memory_space<vmem_shared>>
      tpu.enqueue_dma source(%arg5 : memref<640x128xf32, #tpu.memory_space<hbm>>) target(%dma_start3A_67 : memref<640x128xf32, #tpu.memory_space<vmem_shared>>) target_semaphore(%run_scoped3A : memref<!tpu.dma_semaphore, #tpu.memory_space<semaphore_mem>>)
      %dma_wait3A = arith.constant 0 : i32
      %dma_wait3A_68 = tpu.memref_slice %arg10[%mul3A_2, %dma_wait3A] : memref<10240x128xf32, #tpu.memory_space<vmem_shared>> -> memref<640x128xf32, #tpu.memory_space<vmem_shared>>
      tpu.wait_dma2 semaphore(%run_scoped3A : memref<!tpu.dma_semaphore, #tpu.memory_space<semaphore_mem>>) src(%arg5 : memref<640x128xf32, #tpu.memory_space<hbm>>) dst(%dma_wait3A_68 : memref<640x128xf32, #tpu.memory_space<vmem_shared>>)
      tpu.yield
    }) : () -> ()
    %barrier3A = arith.constant 0 : index
    tpu.barrier barrier_id(%barrier3A)
    "tpu.region"() ({
      %run_scoped3A = tpu.sem_alloc : memref<!tpu.dma_semaphore, #tpu.memory_space<semaphore_mem>>
      %dma_start3A_66 = arith.constant 0 : i32
      %dma_start3A_67 = arith.constant 0 : i32
      %dma_start3A_68 = tpu.memref_slice %arg3[%add3A, %dma_start3A_66, %dma_start3A_67] : memref<32x80x128xi32, #tpu.memory_space<hbm>> -> memref<1x40x128xi32, #tpu.memory_space<hbm>>
      %dma_start3A_69 = tpu.memref_squeeze %dma_start3A_68 : memref<1x40x128xi32, #tpu.memory_space<hbm>> -> memref<40x128xi32, #tpu.memory_space<hbm>>
      %dma_start3A_70 = arith.constant 0 : i32
      %dma_start3A_71 = arith.constant 0 : i32
      %dma_start3A_72 = tpu.memref_slice %arg3[%add3A, %dma_start3A_70, %dma_start3A_71] : memref<32x80x128xi32, #tpu.memory_space<hbm>> -> memref<1x40x128xi32, #tpu.memory_space<hbm>>
      %dma_start3A_73 = tpu.memref_squeeze %dma_start3A_72 : memref<1x40x128xi32, #tpu.memory_space<hbm>> -> memref<40x128xi32, #tpu.memory_space<hbm>>
      tpu.enqueue_dma source(%dma_start3A_73 : memref<40x128xi32, #tpu.memory_space<hbm>>) target(%arg7 : memref<40x128xi32, #tpu.memory_space<vmem>>) target_semaphore(%run_scoped3A : memref<!tpu.dma_semaphore, #tpu.memory_space<semaphore_mem>>)
      %dma_wait3A = arith.constant 0 : i32
      %dma_wait3A_74 = arith.constant 0 : i32
      %dma_wait3A_75 = tpu.memref_slice %arg3[%add3A, %dma_wait3A, %dma_wait3A_74] : memref<32x80x128xi32, #tpu.memory_space<hbm>> -> memref<1x40x128xi32, #tpu.memory_space<hbm>>
      %dma_wait3A_76 = tpu.memref_squeeze %dma_wait3A_75 : memref<1x40x128xi32, #tpu.memory_space<hbm>> -> memref<40x128xi32, #tpu.memory_space<hbm>>
      %dma_wait3A_77 = arith.constant 0 : i32
      %dma_wait3A_78 = arith.constant 0 : i32
      %dma_wait3A_79 = tpu.memref_slice %arg3[%add3A, %dma_wait3A_77, %dma_wait3A_78] : memref<32x80x128xi32, #tpu.memory_space<hbm>> -> memref<1x40x128xi32, #tpu.memory_space<hbm>>
      %dma_wait3A_80 = tpu.memref_squeeze %dma_wait3A_79 : memref<1x40x128xi32, #tpu.memory_space<hbm>> -> memref<40x128xi32, #tpu.memory_space<hbm>>
      tpu.wait_dma2 semaphore(%run_scoped3A : memref<!tpu.dma_semaphore, #tpu.memory_space<semaphore_mem>>) src(%dma_wait3A_80 : memref<40x128xi32, #tpu.memory_space<hbm>>) dst(%arg7 : memref<40x128xi32, #tpu.memory_space<vmem>>)
      tpu.yield
    }) : () -> ()
    "tpu.region"() ({
      %run_scoped3A = tpu.sem_alloc : memref<!tpu.dma_semaphore, #tpu.memory_space<semaphore_mem>>
      %dma_start3A_66 = arith.constant 0 : i32
      %dma_start3A_67 = arith.constant 0 : i32
      %dma_start3A_68 = tpu.memref_slice %arg4[%add3A, %dma_start3A_66, %dma_start3A_67] : memref<32x80x128xi32, #tpu.memory_space<hbm>> -> memref<1x40x128xi32, #tpu.memory_space<hbm>>
      %dma_start3A_69 = tpu.memref_squeeze %dma_start3A_68 : memref<1x40x128xi32, #tpu.memory_space<hbm>> -> memref<40x128xi32, #tpu.memory_space<hbm>>
      %dma_start3A_70 = arith.constant 0 : i32
      %dma_start3A_71 = arith.constant 0 : i32
      %dma_start3A_72 = tpu.memref_slice %arg4[%add3A, %dma_start3A_70, %dma_start3A_71] : memref<32x80x128xi32, #tpu.memory_space<hbm>> -> memref<1x40x128xi32, #tpu.memory_space<hbm>>
      %dma_start3A_73 = tpu.memref_squeeze %dma_start3A_72 : memref<1x40x128xi32, #tpu.memory_space<hbm>> -> memref<40x128xi32, #tpu.memory_space<hbm>>
      tpu.enqueue_dma source(%dma_start3A_73 : memref<40x128xi32, #tpu.memory_space<hbm>>) target(%arg8 : memref<40x128xi32, #tpu.memory_space<vmem>>) target_semaphore(%run_scoped3A : memref<!tpu.dma_semaphore, #tpu.memory_space<semaphore_mem>>)
      %dma_wait3A = arith.constant 0 : i32
      %dma_wait3A_74 = arith.constant 0 : i32
      %dma_wait3A_75 = tpu.memref_slice %arg4[%add3A, %dma_wait3A, %dma_wait3A_74] : memref<32x80x128xi32, #tpu.memory_space<hbm>> -> memref<1x40x128xi32, #tpu.memory_space<hbm>>
      %dma_wait3A_76 = tpu.memref_squeeze %dma_wait3A_75 : memref<1x40x128xi32, #tpu.memory_space<hbm>> -> memref<40x128xi32, #tpu.memory_space<hbm>>
      %dma_wait3A_77 = arith.constant 0 : i32
      %dma_wait3A_78 = arith.constant 0 : i32
      %dma_wait3A_79 = tpu.memref_slice %arg4[%add3A, %dma_wait3A_77, %dma_wait3A_78] : memref<32x80x128xi32, #tpu.memory_space<hbm>> -> memref<1x40x128xi32, #tpu.memory_space<hbm>>
      %dma_wait3A_80 = tpu.memref_squeeze %dma_wait3A_79 : memref<1x40x128xi32, #tpu.memory_space<hbm>> -> memref<40x128xi32, #tpu.memory_space<hbm>>
      tpu.wait_dma2 semaphore(%run_scoped3A : memref<!tpu.dma_semaphore, #tpu.memory_space<semaphore_mem>>) src(%dma_wait3A_80 : memref<40x128xi32, #tpu.memory_space<hbm>>) dst(%arg8 : memref<40x128xi32, #tpu.memory_space<vmem>>)
      tpu.yield
    }) : () -> ()
    %dma_start3A = arith.constant 0 : i32
    %dma_start3A_3 = arith.constant 0 : i32
    %dma_start3A_4 = arith.constant 0 : i32
    %dma_start3A_5 = arith.constant 0 : i32
    %dma_start3A_6 = tpu.memref_slice %arg9[%dma_start3A_3, %dma_start3A_4, %dma_start3A_5] : memref<2x128x128xf32, #tpu.memory_space<vmem>> -> memref<1x128x128xf32, #tpu.memory_space<vmem>>
    %dma_start3A_7 = tpu.memref_squeeze %dma_start3A_6 : memref<1x128x128xf32, #tpu.memory_space<vmem>> -> memref<128x128xf32, #tpu.memory_space<vmem>>
    %dma_start3A_8 = arith.constant 0 : i32
    %dma_start3A_9 = tpu.memref_slice %arg7[%dma_start3A, %dma_start3A_8] : memref<40x128xi32, #tpu.memory_space<vmem>> -> memref<1x128xi32, #tpu.memory_space<vmem>>
    %dma_start3A_10 = tpu.memref_squeeze %dma_start3A_9 : memref<1x128xi32, #tpu.memory_space<vmem>> -> memref<128xi32, #tpu.memory_space<vmem>>
    %dma_start3A_11 = arith.constant 0 : i32
    %dma_start3A_12 = arith.constant 0 : i32
    %dma_start3A_13 = tpu.memref_slice %arg2[%dma_start3A_11, %dma_start3A_12] : memref<10240x128xf32, #tpu.memory_space<hbm>> -> memref<10240x128xf32, #tpu.memory_space<hbm>>
    tpu.enqueue_indirect_dma source(%dma_start3A_13 : memref<10240x128xf32, #tpu.memory_space<hbm>>) target(%dma_start3A_7 : memref<128x128xf32, #tpu.memory_space<vmem>>) offsets(%dma_start3A_10 : memref<128xi32, #tpu.memory_space<vmem>>) semaphore(%arg11 : memref<!tpu.dma_semaphore, #tpu.memory_space<semaphore_mem>>)
    %dma_start3A_14 = arith.constant 1 : i32
    %dma_start3A_15 = arith.constant 1 : i32
    %dma_start3A_16 = arith.constant 0 : i32
    %dma_start3A_17 = arith.constant 0 : i32
    %dma_start3A_18 = tpu.memref_slice %arg9[%dma_start3A_15, %dma_start3A_16, %dma_start3A_17] : memref<2x128x128xf32, #tpu.memory_space<vmem>> -> memref<1x128x128xf32, #tpu.memory_space<vmem>>
    %dma_start3A_19 = tpu.memref_squeeze %dma_start3A_18 : memref<1x128x128xf32, #tpu.memory_space<vmem>> -> memref<128x128xf32, #tpu.memory_space<vmem>>
    %dma_start3A_20 = arith.constant 0 : i32
    %dma_start3A_21 = tpu.memref_slice %arg7[%dma_start3A_14, %dma_start3A_20] : memref<40x128xi32, #tpu.memory_space<vmem>> -> memref<1x128xi32, #tpu.memory_space<vmem>>
    %dma_start3A_22 = tpu.memref_squeeze %dma_start3A_21 : memref<1x128xi32, #tpu.memory_space<vmem>> -> memref<128xi32, #tpu.memory_space<vmem>>
    %dma_start3A_23 = arith.constant 0 : i32
    %dma_start3A_24 = arith.constant 0 : i32
    %dma_start3A_25 = tpu.memref_slice %arg2[%dma_start3A_23, %dma_start3A_24] : memref<10240x128xf32, #tpu.memory_space<hbm>> -> memref<10240x128xf32, #tpu.memory_space<hbm>>
    tpu.enqueue_indirect_dma source(%dma_start3A_25 : memref<10240x128xf32, #tpu.memory_space<hbm>>) target(%dma_start3A_19 : memref<128x128xf32, #tpu.memory_space<vmem>>) offsets(%dma_start3A_22 : memref<128xi32, #tpu.memory_space<vmem>>) semaphore(%arg12 : memref<!tpu.dma_semaphore, #tpu.memory_space<semaphore_mem>>)
    %scan3A = arith.constant 0 : i32
    %scan3A_26 = arith.constant 0 : i32
    %scan3A_27 = arith.constant 20 : i32
    %scan3A_28 = arith.addi %scan3A_26, %scan3A_27 : i32
    %scan3A_29 = arith.constant 1 : i32
    scf.for %scan3A_66 = %scan3A_26 to %scan3A_28 step %scan3A_29  : i32 {
      %mul3A_67 = arith.constant 2 : i32
      %mul3A_68 = arith.muli %mul3A_67, %scan3A_66 : i32
      %add3A_69 = arith.constant 1 : i32
      %add3A_70 = arith.addi %mul3A_68, %add3A_69 : i32
      %dma_wait3A = arith.constant 0 : i32
      %dma_wait3A_71 = arith.constant 0 : i32
      %dma_wait3A_72 = arith.constant 0 : i32
      %dma_wait3A_73 = tpu.memref_slice %arg9[%dma_wait3A, %dma_wait3A_71, %dma_wait3A_72] : memref<2x128x128xf32, #tpu.memory_space<vmem>> -> memref<1x128x128xf32, #tpu.memory_space<vmem>>
      %dma_wait3A_74 = tpu.memref_squeeze %dma_wait3A_73 : memref<1x128x128xf32, #tpu.memory_space<vmem>> -> memref<128x128xf32, #tpu.memory_space<vmem>>
      %dma_wait3A_75 = arith.constant 0 : i32
      %dma_wait3A_76 = tpu.memref_slice %arg7[%mul3A_68, %dma_wait3A_75] : memref<40x128xi32, #tpu.memory_space<vmem>> -> memref<1x128xi32, #tpu.memory_space<vmem>>
      %dma_wait3A_77 = tpu.memref_squeeze %dma_wait3A_76 : memref<1x128xi32, #tpu.memory_space<vmem>> -> memref<128xi32, #tpu.memory_space<vmem>>
      %dma_wait3A_78 = arith.constant 0 : i32
      %dma_wait3A_79 = arith.constant 0 : i32
      %dma_wait3A_80 = tpu.memref_slice %arg2[%dma_wait3A_78, %dma_wait3A_79] : memref<10240x128xf32, #tpu.memory_space<hbm>> -> memref<10240x128xf32, #tpu.memory_space<hbm>>
      tpu.wait_indirect_dma semaphore(%arg11 : memref<!tpu.dma_semaphore, #tpu.memory_space<semaphore_mem>>) src(%dma_wait3A_80 : memref<10240x128xf32, #tpu.memory_space<hbm>>) dst(%dma_wait3A_74 : memref<128x128xf32, #tpu.memory_space<vmem>>)
      %run_scoped3A = arith.constant 0 : i32
      "tpu.region"() ({
        %run_scoped3A_104 = tpu.sem_alloc : memref<!tpu.dma_semaphore, #tpu.memory_space<semaphore_mem>>
        %dma_start3A_105 = arith.constant 0 : i32
        %dma_start3A_106 = arith.constant 0 : i32
        %dma_start3A_107 = tpu.memref_slice %arg9[%run_scoped3A, %dma_start3A_105, %dma_start3A_106] : memref<2x128x128xf32, #tpu.memory_space<vmem>> -> memref<1x128x128xf32, #tpu.memory_space<vmem>>
        %dma_start3A_108 = tpu.memref_squeeze %dma_start3A_107 : memref<1x128x128xf32, #tpu.memory_space<vmem>> -> memref<128x128xf32, #tpu.memory_space<vmem>>
        %dma_start3A_109 = arith.constant 0 : i32
        %dma_start3A_110 = tpu.memref_slice %arg8[%mul3A_68, %dma_start3A_109] : memref<40x128xi32, #tpu.memory_space<vmem>> -> memref<1x128xi32, #tpu.memory_space<vmem>>
        %dma_start3A_111 = tpu.memref_squeeze %dma_start3A_110 : memref<1x128xi32, #tpu.memory_space<vmem>> -> memref<128xi32, #tpu.memory_space<vmem>>
        %dma_start3A_112 = arith.constant 0 : i32
        %dma_start3A_113 = arith.constant 0 : i32
        %dma_start3A_114 = tpu.memref_slice %arg10[%dma_start3A_112, %dma_start3A_113] : memref<10240x128xf32, #tpu.memory_space<vmem_shared>> -> memref<10240x128xf32, #tpu.memory_space<vmem_shared>>
        tpu.enqueue_indirect_dma source(%dma_start3A_108 : memref<128x128xf32, #tpu.memory_space<vmem>>) target(%dma_start3A_114 : memref<10240x128xf32, #tpu.memory_space<vmem_shared>>) offsets(%dma_start3A_111 : memref<128xi32, #tpu.memory_space<vmem>>) semaphore(%run_scoped3A_104 : memref<!tpu.dma_semaphore, #tpu.memory_space<semaphore_mem>>) {add = true}
        %dma_wait3A_115 = arith.constant 0 : i32
        %dma_wait3A_116 = arith.constant 0 : i32
        %dma_wait3A_117 = tpu.memref_slice %arg9[%run_scoped3A, %dma_wait3A_115, %dma_wait3A_116] : memref<2x128x128xf32, #tpu.memory_space<vmem>> -> memref<1x128x128xf32, #tpu.memory_space<vmem>>
        %dma_wait3A_118 = tpu.memref_squeeze %dma_wait3A_117 : memref<1x128x128xf32, #tpu.memory_space<vmem>> -> memref<128x128xf32, #tpu.memory_space<vmem>>
        %dma_wait3A_119 = arith.constant 0 : i32
        %dma_wait3A_120 = tpu.memref_slice %arg8[%mul3A_68, %dma_wait3A_119] : memref<40x128xi32, #tpu.memory_space<vmem>> -> memref<1x128xi32, #tpu.memory_space<vmem>>
        %dma_wait3A_121 = tpu.memref_squeeze %dma_wait3A_120 : memref<1x128xi32, #tpu.memory_space<vmem>> -> memref<128xi32, #tpu.memory_space<vmem>>
        %dma_wait3A_122 = arith.constant 0 : i32
        %dma_wait3A_123 = arith.constant 0 : i32
        %dma_wait3A_124 = tpu.memref_slice %arg10[%dma_wait3A_122, %dma_wait3A_123] : memref<10240x128xf32, #tpu.memory_space<vmem_shared>> -> memref<10240x128xf32, #tpu.memory_space<vmem_shared>>
        tpu.wait_indirect_dma semaphore(%run_scoped3A_104 : memref<!tpu.dma_semaphore, #tpu.memory_space<semaphore_mem>>) src(%dma_wait3A_118 : memref<128x128xf32, #tpu.memory_space<vmem>>) dst(%dma_wait3A_124 : memref<10240x128xf32, #tpu.memory_space<vmem_shared>>)
        tpu.yield
      }) : () -> ()
      %add3A_81 = arith.constant 2 : i32
      %add3A_82 = arith.addi %mul3A_68, %add3A_81 : i32
      %lt3A = arith.constant 40 : i32
      %lt3A_83 = arith.cmpi slt, %add3A_82, %lt3A : i32
      %convert_element_type3A = arith.extui %lt3A_83 : i1 to i32
      %cond3A = arith.constant 0 : i32
      %cond3A_84 = arith.cmpi ne, %convert_element_type3A, %cond3A : i32
      scf.if %cond3A_84 {
        %add3A_104 = arith.constant 2 : i32
        %add3A_105 = arith.addi %mul3A_68, %add3A_104 : i32
        %dma_start3A_106 = arith.constant 0 : i32
        %dma_start3A_107 = arith.constant 0 : i32
        %dma_start3A_108 = arith.constant 0 : i32
        %dma_start3A_109 = tpu.memref_slice %arg9[%dma_start3A_106, %dma_start3A_107, %dma_start3A_108] : memref<2x128x128xf32, #tpu.memory_space<vmem>> -> memref<1x128x128xf32, #tpu.memory_space<vmem>>
        %dma_start3A_110 = tpu.memref_squeeze %dma_start3A_109 : memref<1x128x128xf32, #tpu.memory_space<vmem>> -> memref<128x128xf32, #tpu.memory_space<vmem>>
        %dma_start3A_111 = arith.constant 0 : i32
        %dma_start3A_112 = tpu.memref_slice %arg7[%add3A_105, %dma_start3A_111] : memref<40x128xi32, #tpu.memory_space<vmem>> -> memref<1x128xi32, #tpu.memory_space<vmem>>
        %dma_start3A_113 = tpu.memref_squeeze %dma_start3A_112 : memref<1x128xi32, #tpu.memory_space<vmem>> -> memref<128xi32, #tpu.memory_space<vmem>>
        %dma_start3A_114 = arith.constant 0 : i32
        %dma_start3A_115 = arith.constant 0 : i32
        %dma_start3A_116 = tpu.memref_slice %arg2[%dma_start3A_114, %dma_start3A_115] : memref<10240x128xf32, #tpu.memory_space<hbm>> -> memref<10240x128xf32, #tpu.memory_space<hbm>>
        tpu.enqueue_indirect_dma source(%dma_start3A_116 : memref<10240x128xf32, #tpu.memory_space<hbm>>) target(%dma_start3A_110 : memref<128x128xf32, #tpu.memory_space<vmem>>) offsets(%dma_start3A_113 : memref<128xi32, #tpu.memory_space<vmem>>) semaphore(%arg11 : memref<!tpu.dma_semaphore, #tpu.memory_space<semaphore_mem>>)
      } else {
      }
      %dma_wait3A_85 = arith.constant 1 : i32
      %dma_wait3A_86 = arith.constant 0 : i32
      %dma_wait3A_87 = arith.constant 0 : i32
      %dma_wait3A_88 = tpu.memref_slice %arg9[%dma_wait3A_85, %dma_wait3A_86, %dma_wait3A_87] : memref<2x128x128xf32, #tpu.memory_space<vmem>> -> memref<1x128x128xf32, #tpu.memory_space<vmem>>
      %dma_wait3A_89 = tpu.memref_squeeze %dma_wait3A_88 : memref<1x128x128xf32, #tpu.memory_space<vmem>> -> memref<128x128xf32, #tpu.memory_space<vmem>>
      %dma_wait3A_90 = arith.constant 0 : i32
      %dma_wait3A_91 = tpu.memref_slice %arg7[%add3A_70, %dma_wait3A_90] : memref<40x128xi32, #tpu.memory_space<vmem>> -> memref<1x128xi32, #tpu.memory_space<vmem>>
      %dma_wait3A_92 = tpu.memref_squeeze %dma_wait3A_91 : memref<1x128xi32, #tpu.memory_space<vmem>> -> memref<128xi32, #tpu.memory_space<vmem>>
      %dma_wait3A_93 = arith.constant 0 : i32
      %dma_wait3A_94 = arith.constant 0 : i32
      %dma_wait3A_95 = tpu.memref_slice %arg2[%dma_wait3A_93, %dma_wait3A_94] : memref<10240x128xf32, #tpu.memory_space<hbm>> -> memref<10240x128xf32, #tpu.memory_space<hbm>>
      tpu.wait_indirect_dma semaphore(%arg12 : memref<!tpu.dma_semaphore, #tpu.memory_space<semaphore_mem>>) src(%dma_wait3A_95 : memref<10240x128xf32, #tpu.memory_space<hbm>>) dst(%dma_wait3A_89 : memref<128x128xf32, #tpu.memory_space<vmem>>)
      %run_scoped3A_96 = arith.constant 1 : i32
      "tpu.region"() ({
        %run_scoped3A_104 = tpu.sem_alloc : memref<!tpu.dma_semaphore, #tpu.memory_space<semaphore_mem>>
        %dma_start3A_105 = arith.constant 0 : i32
        %dma_start3A_106 = arith.constant 0 : i32
        %dma_start3A_107 = tpu.memref_slice %arg9[%run_scoped3A_96, %dma_start3A_105, %dma_start3A_106] : memref<2x128x128xf32, #tpu.memory_space<vmem>> -> memref<1x128x128xf32, #tpu.memory_space<vmem>>
        %dma_start3A_108 = tpu.memref_squeeze %dma_start3A_107 : memref<1x128x128xf32, #tpu.memory_space<vmem>> -> memref<128x128xf32, #tpu.memory_space<vmem>>
        %dma_start3A_109 = arith.constant 0 : i32
        %dma_start3A_110 = tpu.memref_slice %arg8[%add3A_70, %dma_start3A_109] : memref<40x128xi32, #tpu.memory_space<vmem>> -> memref<1x128xi32, #tpu.memory_space<vmem>>
        %dma_start3A_111 = tpu.memref_squeeze %dma_start3A_110 : memref<1x128xi32, #tpu.memory_space<vmem>> -> memref<128xi32, #tpu.memory_space<vmem>>
        %dma_start3A_112 = arith.constant 0 : i32
        %dma_start3A_113 = arith.constant 0 : i32
        %dma_start3A_114 = tpu.memref_slice %arg10[%dma_start3A_112, %dma_start3A_113] : memref<10240x128xf32, #tpu.memory_space<vmem_shared>> -> memref<10240x128xf32, #tpu.memory_space<vmem_shared>>
        tpu.enqueue_indirect_dma source(%dma_start3A_108 : memref<128x128xf32, #tpu.memory_space<vmem>>) target(%dma_start3A_114 : memref<10240x128xf32, #tpu.memory_space<vmem_shared>>) offsets(%dma_start3A_111 : memref<128xi32, #tpu.memory_space<vmem>>) semaphore(%run_scoped3A_104 : memref<!tpu.dma_semaphore, #tpu.memory_space<semaphore_mem>>) {add = true}
        %dma_wait3A_115 = arith.constant 0 : i32
        %dma_wait3A_116 = arith.constant 0 : i32
        %dma_wait3A_117 = tpu.memref_slice %arg9[%run_scoped3A_96, %dma_wait3A_115, %dma_wait3A_116] : memref<2x128x128xf32, #tpu.memory_space<vmem>> -> memref<1x128x128xf32, #tpu.memory_space<vmem>>
        %dma_wait3A_118 = tpu.memref_squeeze %dma_wait3A_117 : memref<1x128x128xf32, #tpu.memory_space<vmem>> -> memref<128x128xf32, #tpu.memory_space<vmem>>
        %dma_wait3A_119 = arith.constant 0 : i32
        %dma_wait3A_120 = tpu.memref_slice %arg8[%add3A_70, %dma_wait3A_119] : memref<40x128xi32, #tpu.memory_space<vmem>> -> memref<1x128xi32, #tpu.memory_space<vmem>>
        %dma_wait3A_121 = tpu.memref_squeeze %dma_wait3A_120 : memref<1x128xi32, #tpu.memory_space<vmem>> -> memref<128xi32, #tpu.memory_space<vmem>>
        %dma_wait3A_122 = arith.constant 0 : i32
        %dma_wait3A_123 = arith.constant 0 : i32
        %dma_wait3A_124 = tpu.memref_slice %arg10[%dma_wait3A_122, %dma_wait3A_123] : memref<10240x128xf32, #tpu.memory_space<vmem_shared>> -> memref<10240x128xf32, #tpu.memory_space<vmem_shared>>
        tpu.wait_indirect_dma semaphore(%run_scoped3A_104 : memref<!tpu.dma_semaphore, #tpu.memory_space<semaphore_mem>>) src(%dma_wait3A_118 : memref<128x128xf32, #tpu.memory_space<vmem>>) dst(%dma_wait3A_124 : memref<10240x128xf32, #tpu.memory_space<vmem_shared>>)
        tpu.yield
      }) : () -> ()
      %add3A_97 = arith.constant 2 : i32
      %add3A_98 = arith.addi %add3A_70, %add3A_97 : i32
      %lt3A_99 = arith.constant 40 : i32
      %lt3A_100 = arith.cmpi slt, %add3A_98, %lt3A_99 : i32
      %convert_element_type3A_101 = arith.extui %lt3A_100 : i1 to i32
      %cond3A_102 = arith.constant 0 : i32
      %cond3A_103 = arith.cmpi ne, %convert_element_type3A_101, %cond3A_102 : i32
      scf.if %cond3A_103 {
        %add3A_104 = arith.constant 2 : i32
        %add3A_105 = arith.addi %add3A_70, %add3A_104 : i32
        %dma_start3A_106 = arith.constant 1 : i32
        %dma_start3A_107 = arith.constant 0 : i32
        %dma_start3A_108 = arith.constant 0 : i32
        %dma_start3A_109 = tpu.memref_slice %arg9[%dma_start3A_106, %dma_start3A_107, %dma_start3A_108] : memref<2x128x128xf32, #tpu.memory_space<vmem>> -> memref<1x128x128xf32, #tpu.memory_space<vmem>>
        %dma_start3A_110 = tpu.memref_squeeze %dma_start3A_109 : memref<1x128x128xf32, #tpu.memory_space<vmem>> -> memref<128x128xf32, #tpu.memory_space<vmem>>
        %dma_start3A_111 = arith.constant 0 : i32
        %dma_start3A_112 = tpu.memref_slice %arg7[%add3A_105, %dma_start3A_111] : memref<40x128xi32, #tpu.memory_space<vmem>> -> memref<1x128xi32, #tpu.memory_space<vmem>>
        %dma_start3A_113 = tpu.memref_squeeze %dma_start3A_112 : memref<1x128xi32, #tpu.memory_space<vmem>> -> memref<128xi32, #tpu.memory_space<vmem>>
        %dma_start3A_114 = arith.constant 0 : i32
        %dma_start3A_115 = arith.constant 0 : i32
        %dma_start3A_116 = tpu.memref_slice %arg2[%dma_start3A_114, %dma_start3A_115] : memref<10240x128xf32, #tpu.memory_space<hbm>> -> memref<10240x128xf32, #tpu.memory_space<hbm>>
        tpu.enqueue_indirect_dma source(%dma_start3A_116 : memref<10240x128xf32, #tpu.memory_space<hbm>>) target(%dma_start3A_110 : memref<128x128xf32, #tpu.memory_space<vmem>>) offsets(%dma_start3A_113 : memref<128xi32, #tpu.memory_space<vmem>>) semaphore(%arg12 : memref<!tpu.dma_semaphore, #tpu.memory_space<semaphore_mem>>)
      } else {
      }
    }
    %scan3A_30 = arith.constant 20 : i32
    "tpu.region"() ({
      %run_scoped3A = tpu.sem_alloc : memref<!tpu.dma_semaphore, #tpu.memory_space<semaphore_mem>>
      %dma_start3A_66 = arith.constant 40 : i32
      %dma_start3A_67 = arith.constant 0 : i32
      %dma_start3A_68 = tpu.memref_slice %arg3[%add3A, %dma_start3A_66, %dma_start3A_67] : memref<32x80x128xi32, #tpu.memory_space<hbm>> -> memref<1x40x128xi32, #tpu.memory_space<hbm>>
      %dma_start3A_69 = tpu.memref_squeeze %dma_start3A_68 : memref<1x40x128xi32, #tpu.memory_space<hbm>> -> memref<40x128xi32, #tpu.memory_space<hbm>>
      %dma_start3A_70 = arith.constant 40 : i32
      %dma_start3A_71 = arith.constant 0 : i32
      %dma_start3A_72 = tpu.memref_slice %arg3[%add3A, %dma_start3A_70, %dma_start3A_71] : memref<32x80x128xi32, #tpu.memory_space<hbm>> -> memref<1x40x128xi32, #tpu.memory_space<hbm>>
      %dma_start3A_73 = tpu.memref_squeeze %dma_start3A_72 : memref<1x40x128xi32, #tpu.memory_space<hbm>> -> memref<40x128xi32, #tpu.memory_space<hbm>>
      tpu.enqueue_dma source(%dma_start3A_73 : memref<40x128xi32, #tpu.memory_space<hbm>>) target(%arg7 : memref<40x128xi32, #tpu.memory_space<vmem>>) target_semaphore(%run_scoped3A : memref<!tpu.dma_semaphore, #tpu.memory_space<semaphore_mem>>)
      %dma_wait3A = arith.constant 40 : i32
      %dma_wait3A_74 = arith.constant 0 : i32
      %dma_wait3A_75 = tpu.memref_slice %arg3[%add3A, %dma_wait3A, %dma_wait3A_74] : memref<32x80x128xi32, #tpu.memory_space<hbm>> -> memref<1x40x128xi32, #tpu.memory_space<hbm>>
      %dma_wait3A_76 = tpu.memref_squeeze %dma_wait3A_75 : memref<1x40x128xi32, #tpu.memory_space<hbm>> -> memref<40x128xi32, #tpu.memory_space<hbm>>
      %dma_wait3A_77 = arith.constant 40 : i32
      %dma_wait3A_78 = arith.constant 0 : i32
      %dma_wait3A_79 = tpu.memref_slice %arg3[%add3A, %dma_wait3A_77, %dma_wait3A_78] : memref<32x80x128xi32, #tpu.memory_space<hbm>> -> memref<1x40x128xi32, #tpu.memory_space<hbm>>
      %dma_wait3A_80 = tpu.memref_squeeze %dma_wait3A_79 : memref<1x40x128xi32, #tpu.memory_space<hbm>> -> memref<40x128xi32, #tpu.memory_space<hbm>>
      tpu.wait_dma2 semaphore(%run_scoped3A : memref<!tpu.dma_semaphore, #tpu.memory_space<semaphore_mem>>) src(%dma_wait3A_80 : memref<40x128xi32, #tpu.memory_space<hbm>>) dst(%arg7 : memref<40x128xi32, #tpu.memory_space<vmem>>)
      tpu.yield
    }) : () -> ()
    "tpu.region"() ({
      %run_scoped3A = tpu.sem_alloc : memref<!tpu.dma_semaphore, #tpu.memory_space<semaphore_mem>>
      %dma_start3A_66 = arith.constant 40 : i32
      %dma_start3A_67 = arith.constant 0 : i32
      %dma_start3A_68 = tpu.memref_slice %arg4[%add3A, %dma_start3A_66, %dma_start3A_67] : memref<32x80x128xi32, #tpu.memory_space<hbm>> -> memref<1x40x128xi32, #tpu.memory_space<hbm>>
      %dma_start3A_69 = tpu.memref_squeeze %dma_start3A_68 : memref<1x40x128xi32, #tpu.memory_space<hbm>> -> memref<40x128xi32, #tpu.memory_space<hbm>>
      %dma_start3A_70 = arith.constant 40 : i32
      %dma_start3A_71 = arith.constant 0 : i32
      %dma_start3A_72 = tpu.memref_slice %arg4[%add3A, %dma_start3A_70, %dma_start3A_71] : memref<32x80x128xi32, #tpu.memory_space<hbm>> -> memref<1x40x128xi32, #tpu.memory_space<hbm>>
      %dma_start3A_73 = tpu.memref_squeeze %dma_start3A_72 : memref<1x40x128xi32, #tpu.memory_space<hbm>> -> memref<40x128xi32, #tpu.memory_space<hbm>>
      tpu.enqueue_dma source(%dma_start3A_73 : memref<40x128xi32, #tpu.memory_space<hbm>>) target(%arg8 : memref<40x128xi32, #tpu.memory_space<vmem>>) target_semaphore(%run_scoped3A : memref<!tpu.dma_semaphore, #tpu.memory_space<semaphore_mem>>)
      %dma_wait3A = arith.constant 40 : i32
      %dma_wait3A_74 = arith.constant 0 : i32
      %dma_wait3A_75 = tpu.memref_slice %arg4[%add3A, %dma_wait3A, %dma_wait3A_74] : memref<32x80x128xi32, #tpu.memory_space<hbm>> -> memref<1x40x128xi32, #tpu.memory_space<hbm>>
      %dma_wait3A_76 = tpu.memref_squeeze %dma_wait3A_75 : memref<1x40x128xi32, #tpu.memory_space<hbm>> -> memref<40x128xi32, #tpu.memory_space<hbm>>
      %dma_wait3A_77 = arith.constant 40 : i32
      %dma_wait3A_78 = arith.constant 0 : i32
      %dma_wait3A_79 = tpu.memref_slice %arg4[%add3A, %dma_wait3A_77, %dma_wait3A_78] : memref<32x80x128xi32, #tpu.memory_space<hbm>> -> memref<1x40x128xi32, #tpu.memory_space<hbm>>
      %dma_wait3A_80 = tpu.memref_squeeze %dma_wait3A_79 : memref<1x40x128xi32, #tpu.memory_space<hbm>> -> memref<40x128xi32, #tpu.memory_space<hbm>>
      tpu.wait_dma2 semaphore(%run_scoped3A : memref<!tpu.dma_semaphore, #tpu.memory_space<semaphore_mem>>) src(%dma_wait3A_80 : memref<40x128xi32, #tpu.memory_space<hbm>>) dst(%arg8 : memref<40x128xi32, #tpu.memory_space<vmem>>)
      tpu.yield
    }) : () -> ()
    %dma_start3A_31 = arith.constant 0 : i32
    %dma_start3A_32 = arith.constant 0 : i32
    %dma_start3A_33 = arith.constant 0 : i32
    %dma_start3A_34 = arith.constant 0 : i32
    %dma_start3A_35 = tpu.memref_slice %arg9[%dma_start3A_32, %dma_start3A_33, %dma_start3A_34] : memref<2x128x128xf32, #tpu.memory_space<vmem>> -> memref<1x128x128xf32, #tpu.memory_space<vmem>>
    %dma_start3A_36 = tpu.memref_squeeze %dma_start3A_35 : memref<1x128x128xf32, #tpu.memory_space<vmem>> -> memref<128x128xf32, #tpu.memory_space<vmem>>
    %dma_start3A_37 = arith.constant 0 : i32
    %dma_start3A_38 = tpu.memref_slice %arg7[%dma_start3A_31, %dma_start3A_37] : memref<40x128xi32, #tpu.memory_space<vmem>> -> memref<1x128xi32, #tpu.memory_space<vmem>>
    %dma_start3A_39 = tpu.memref_squeeze %dma_start3A_38 : memref<1x128xi32, #tpu.memory_space<vmem>> -> memref<128xi32, #tpu.memory_space<vmem>>
    %dma_start3A_40 = arith.constant 0 : i32
    %dma_start3A_41 = arith.constant 0 : i32
    %dma_start3A_42 = tpu.memref_slice %arg2[%dma_start3A_40, %dma_start3A_41] : memref<10240x128xf32, #tpu.memory_space<hbm>> -> memref<10240x128xf32, #tpu.memory_space<hbm>>
    tpu.enqueue_indirect_dma source(%dma_start3A_42 : memref<10240x128xf32, #tpu.memory_space<hbm>>) target(%dma_start3A_36 : memref<128x128xf32, #tpu.memory_space<vmem>>) offsets(%dma_start3A_39 : memref<128xi32, #tpu.memory_space<vmem>>) semaphore(%arg11 : memref<!tpu.dma_semaphore, #tpu.memory_space<semaphore_mem>>)
    %dma_start3A_43 = arith.constant 1 : i32
    %dma_start3A_44 = arith.constant 1 : i32
    %dma_start3A_45 = arith.constant 0 : i32
    %dma_start3A_46 = arith.constant 0 : i32
    %dma_start3A_47 = tpu.memref_slice %arg9[%dma_start3A_44, %dma_start3A_45, %dma_start3A_46] : memref<2x128x128xf32, #tpu.memory_space<vmem>> -> memref<1x128x128xf32, #tpu.memory_space<vmem>>
    %dma_start3A_48 = tpu.memref_squeeze %dma_start3A_47 : memref<1x128x128xf32, #tpu.memory_space<vmem>> -> memref<128x128xf32, #tpu.memory_space<vmem>>
    %dma_start3A_49 = arith.constant 0 : i32
    %dma_start3A_50 = tpu.memref_slice %arg7[%dma_start3A_43, %dma_start3A_49] : memref<40x128xi32, #tpu.memory_space<vmem>> -> memref<1x128xi32, #tpu.memory_space<vmem>>
    %dma_start3A_51 = tpu.memref_squeeze %dma_start3A_50 : memref<1x128xi32, #tpu.memory_space<vmem>> -> memref<128xi32, #tpu.memory_space<vmem>>
    %dma_start3A_52 = arith.constant 0 : i32
    %dma_start3A_53 = arith.constant 0 : i32
    %dma_start3A_54 = tpu.memref_slice %arg2[%dma_start3A_52, %dma_start3A_53] : memref<10240x128xf32, #tpu.memory_space<hbm>> -> memref<10240x128xf32, #tpu.memory_space<hbm>>
    tpu.enqueue_indirect_dma source(%dma_start3A_54 : memref<10240x128xf32, #tpu.memory_space<hbm>>) target(%dma_start3A_48 : memref<128x128xf32, #tpu.memory_space<vmem>>) offsets(%dma_start3A_51 : memref<128xi32, #tpu.memory_space<vmem>>) semaphore(%arg12 : memref<!tpu.dma_semaphore, #tpu.memory_space<semaphore_mem>>)
    %scan3A_55 = arith.constant 0 : i32
    %scan3A_56 = arith.constant 0 : i32
    %scan3A_57 = arith.constant 20 : i32
    %scan3A_58 = arith.addi %scan3A_56, %scan3A_57 : i32
    %scan3A_59 = arith.constant 1 : i32
    scf.for %scan3A_66 = %scan3A_56 to %scan3A_58 step %scan3A_59  : i32 {
      %mul3A_67 = arith.constant 2 : i32
      %mul3A_68 = arith.muli %mul3A_67, %scan3A_66 : i32
      %add3A_69 = arith.constant 1 : i32
      %add3A_70 = arith.addi %mul3A_68, %add3A_69 : i32
      %dma_wait3A = arith.constant 0 : i32
      %dma_wait3A_71 = arith.constant 0 : i32
      %dma_wait3A_72 = arith.constant 0 : i32
      %dma_wait3A_73 = tpu.memref_slice %arg9[%dma_wait3A, %dma_wait3A_71, %dma_wait3A_72] : memref<2x128x128xf32, #tpu.memory_space<vmem>> -> memref<1x128x128xf32, #tpu.memory_space<vmem>>
      %dma_wait3A_74 = tpu.memref_squeeze %dma_wait3A_73 : memref<1x128x128xf32, #tpu.memory_space<vmem>> -> memref<128x128xf32, #tpu.memory_space<vmem>>
      %dma_wait3A_75 = arith.constant 0 : i32
      %dma_wait3A_76 = tpu.memref_slice %arg7[%mul3A_68, %dma_wait3A_75] : memref<40x128xi32, #tpu.memory_space<vmem>> -> memref<1x128xi32, #tpu.memory_space<vmem>>
      %dma_wait3A_77 = tpu.memref_squeeze %dma_wait3A_76 : memref<1x128xi32, #tpu.memory_space<vmem>> -> memref<128xi32, #tpu.memory_space<vmem>>
      %dma_wait3A_78 = arith.constant 0 : i32
      %dma_wait3A_79 = arith.constant 0 : i32
      %dma_wait3A_80 = tpu.memref_slice %arg2[%dma_wait3A_78, %dma_wait3A_79] : memref<10240x128xf32, #tpu.memory_space<hbm>> -> memref<10240x128xf32, #tpu.memory_space<hbm>>
      tpu.wait_indirect_dma semaphore(%arg11 : memref<!tpu.dma_semaphore, #tpu.memory_space<semaphore_mem>>) src(%dma_wait3A_80 : memref<10240x128xf32, #tpu.memory_space<hbm>>) dst(%dma_wait3A_74 : memref<128x128xf32, #tpu.memory_space<vmem>>)
      %run_scoped3A = arith.constant 0 : i32
      "tpu.region"() ({
        %run_scoped3A_104 = tpu.sem_alloc : memref<!tpu.dma_semaphore, #tpu.memory_space<semaphore_mem>>
        %dma_start3A_105 = arith.constant 0 : i32
        %dma_start3A_106 = arith.constant 0 : i32
        %dma_start3A_107 = tpu.memref_slice %arg9[%run_scoped3A, %dma_start3A_105, %dma_start3A_106] : memref<2x128x128xf32, #tpu.memory_space<vmem>> -> memref<1x128x128xf32, #tpu.memory_space<vmem>>
        %dma_start3A_108 = tpu.memref_squeeze %dma_start3A_107 : memref<1x128x128xf32, #tpu.memory_space<vmem>> -> memref<128x128xf32, #tpu.memory_space<vmem>>
        %dma_start3A_109 = arith.constant 0 : i32
        %dma_start3A_110 = tpu.memref_slice %arg8[%mul3A_68, %dma_start3A_109] : memref<40x128xi32, #tpu.memory_space<vmem>> -> memref<1x128xi32, #tpu.memory_space<vmem>>
        %dma_start3A_111 = tpu.memref_squeeze %dma_start3A_110 : memref<1x128xi32, #tpu.memory_space<vmem>> -> memref<128xi32, #tpu.memory_space<vmem>>
        %dma_start3A_112 = arith.constant 0 : i32
        %dma_start3A_113 = arith.constant 0 : i32
        %dma_start3A_114 = tpu.memref_slice %arg10[%dma_start3A_112, %dma_start3A_113] : memref<10240x128xf32, #tpu.memory_space<vmem_shared>> -> memref<10240x128xf32, #tpu.memory_space<vmem_shared>>
        tpu.enqueue_indirect_dma source(%dma_start3A_108 : memref<128x128xf32, #tpu.memory_space<vmem>>) target(%dma_start3A_114 : memref<10240x128xf32, #tpu.memory_space<vmem_shared>>) offsets(%dma_start3A_111 : memref<128xi32, #tpu.memory_space<vmem>>) semaphore(%run_scoped3A_104 : memref<!tpu.dma_semaphore, #tpu.memory_space<semaphore_mem>>) {add = true}
        %dma_wait3A_115 = arith.constant 0 : i32
        %dma_wait3A_116 = arith.constant 0 : i32
        %dma_wait3A_117 = tpu.memref_slice %arg9[%run_scoped3A, %dma_wait3A_115, %dma_wait3A_116] : memref<2x128x128xf32, #tpu.memory_space<vmem>> -> memref<1x128x128xf32, #tpu.memory_space<vmem>>
        %dma_wait3A_118 = tpu.memref_squeeze %dma_wait3A_117 : memref<1x128x128xf32, #tpu.memory_space<vmem>> -> memref<128x128xf32, #tpu.memory_space<vmem>>
        %dma_wait3A_119 = arith.constant 0 : i32
        %dma_wait3A_120 = tpu.memref_slice %arg8[%mul3A_68, %dma_wait3A_119] : memref<40x128xi32, #tpu.memory_space<vmem>> -> memref<1x128xi32, #tpu.memory_space<vmem>>
        %dma_wait3A_121 = tpu.memref_squeeze %dma_wait3A_120 : memref<1x128xi32, #tpu.memory_space<vmem>> -> memref<128xi32, #tpu.memory_space<vmem>>
        %dma_wait3A_122 = arith.constant 0 : i32
        %dma_wait3A_123 = arith.constant 0 : i32
        %dma_wait3A_124 = tpu.memref_slice %arg10[%dma_wait3A_122, %dma_wait3A_123] : memref<10240x128xf32, #tpu.memory_space<vmem_shared>> -> memref<10240x128xf32, #tpu.memory_space<vmem_shared>>
        tpu.wait_indirect_dma semaphore(%run_scoped3A_104 : memref<!tpu.dma_semaphore, #tpu.memory_space<semaphore_mem>>) src(%dma_wait3A_118 : memref<128x128xf32, #tpu.memory_space<vmem>>) dst(%dma_wait3A_124 : memref<10240x128xf32, #tpu.memory_space<vmem_shared>>)
        tpu.yield
      }) : () -> ()
      %add3A_81 = arith.constant 2 : i32
      %add3A_82 = arith.addi %mul3A_68, %add3A_81 : i32
      %lt3A = arith.constant 40 : i32
      %lt3A_83 = arith.cmpi slt, %add3A_82, %lt3A : i32
      %convert_element_type3A = arith.extui %lt3A_83 : i1 to i32
      %cond3A = arith.constant 0 : i32
      %cond3A_84 = arith.cmpi ne, %convert_element_type3A, %cond3A : i32
      scf.if %cond3A_84 {
        %add3A_104 = arith.constant 2 : i32
        %add3A_105 = arith.addi %mul3A_68, %add3A_104 : i32
        %dma_start3A_106 = arith.constant 0 : i32
        %dma_start3A_107 = arith.constant 0 : i32
        %dma_start3A_108 = arith.constant 0 : i32
        %dma_start3A_109 = tpu.memref_slice %arg9[%dma_start3A_106, %dma_start3A_107, %dma_start3A_108] : memref<2x128x128xf32, #tpu.memory_space<vmem>> -> memref<1x128x128xf32, #tpu.memory_space<vmem>>
        %dma_start3A_110 = tpu.memref_squeeze %dma_start3A_109 : memref<1x128x128xf32, #tpu.memory_space<vmem>> -> memref<128x128xf32, #tpu.memory_space<vmem>>
        %dma_start3A_111 = arith.constant 0 : i32
        %dma_start3A_112 = tpu.memref_slice %arg7[%add3A_105, %dma_start3A_111] : memref<40x128xi32, #tpu.memory_space<vmem>> -> memref<1x128xi32, #tpu.memory_space<vmem>>
        %dma_start3A_113 = tpu.memref_squeeze %dma_start3A_112 : memref<1x128xi32, #tpu.memory_space<vmem>> -> memref<128xi32, #tpu.memory_space<vmem>>
        %dma_start3A_114 = arith.constant 0 : i32
        %dma_start3A_115 = arith.constant 0 : i32
        %dma_start3A_116 = tpu.memref_slice %arg2[%dma_start3A_114, %dma_start3A_115] : memref<10240x128xf32, #tpu.memory_space<hbm>> -> memref<10240x128xf32, #tpu.memory_space<hbm>>
        tpu.enqueue_indirect_dma source(%dma_start3A_116 : memref<10240x128xf32, #tpu.memory_space<hbm>>) target(%dma_start3A_110 : memref<128x128xf32, #tpu.memory_space<vmem>>) offsets(%dma_start3A_113 : memref<128xi32, #tpu.memory_space<vmem>>) semaphore(%arg11 : memref<!tpu.dma_semaphore, #tpu.memory_space<semaphore_mem>>)
      } else {
      }
      %dma_wait3A_85 = arith.constant 1 : i32
      %dma_wait3A_86 = arith.constant 0 : i32
      %dma_wait3A_87 = arith.constant 0 : i32
      %dma_wait3A_88 = tpu.memref_slice %arg9[%dma_wait3A_85, %dma_wait3A_86, %dma_wait3A_87] : memref<2x128x128xf32, #tpu.memory_space<vmem>> -> memref<1x128x128xf32, #tpu.memory_space<vmem>>
      %dma_wait3A_89 = tpu.memref_squeeze %dma_wait3A_88 : memref<1x128x128xf32, #tpu.memory_space<vmem>> -> memref<128x128xf32, #tpu.memory_space<vmem>>
      %dma_wait3A_90 = arith.constant 0 : i32
      %dma_wait3A_91 = tpu.memref_slice %arg7[%add3A_70, %dma_wait3A_90] : memref<40x128xi32, #tpu.memory_space<vmem>> -> memref<1x128xi32, #tpu.memory_space<vmem>>
      %dma_wait3A_92 = tpu.memref_squeeze %dma_wait3A_91 : memref<1x128xi32, #tpu.memory_space<vmem>> -> memref<128xi32, #tpu.memory_space<vmem>>
      %dma_wait3A_93 = arith.constant 0 : i32
      %dma_wait3A_94 = arith.constant 0 : i32
      %dma_wait3A_95 = tpu.memref_slice %arg2[%dma_wait3A_93, %dma_wait3A_94] : memref<10240x128xf32, #tpu.memory_space<hbm>> -> memref<10240x128xf32, #tpu.memory_space<hbm>>
      tpu.wait_indirect_dma semaphore(%arg12 : memref<!tpu.dma_semaphore, #tpu.memory_space<semaphore_mem>>) src(%dma_wait3A_95 : memref<10240x128xf32, #tpu.memory_space<hbm>>) dst(%dma_wait3A_89 : memref<128x128xf32, #tpu.memory_space<vmem>>)
      %run_scoped3A_96 = arith.constant 1 : i32
      "tpu.region"() ({
        %run_scoped3A_104 = tpu.sem_alloc : memref<!tpu.dma_semaphore, #tpu.memory_space<semaphore_mem>>
        %dma_start3A_105 = arith.constant 0 : i32
        %dma_start3A_106 = arith.constant 0 : i32
        %dma_start3A_107 = tpu.memref_slice %arg9[%run_scoped3A_96, %dma_start3A_105, %dma_start3A_106] : memref<2x128x128xf32, #tpu.memory_space<vmem>> -> memref<1x128x128xf32, #tpu.memory_space<vmem>>
        %dma_start3A_108 = tpu.memref_squeeze %dma_start3A_107 : memref<1x128x128xf32, #tpu.memory_space<vmem>> -> memref<128x128xf32, #tpu.memory_space<vmem>>
        %dma_start3A_109 = arith.constant 0 : i32
        %dma_start3A_110 = tpu.memref_slice %arg8[%add3A_70, %dma_start3A_109] : memref<40x128xi32, #tpu.memory_space<vmem>> -> memref<1x128xi32, #tpu.memory_space<vmem>>
        %dma_start3A_111 = tpu.memref_squeeze %dma_start3A_110 : memref<1x128xi32, #tpu.memory_space<vmem>> -> memref<128xi32, #tpu.memory_space<vmem>>
        %dma_start3A_112 = arith.constant 0 : i32
        %dma_start3A_113 = arith.constant 0 : i32
        %dma_start3A_114 = tpu.memref_slice %arg10[%dma_start3A_112, %dma_start3A_113] : memref<10240x128xf32, #tpu.memory_space<vmem_shared>> -> memref<10240x128xf32, #tpu.memory_space<vmem_shared>>
        tpu.enqueue_indirect_dma source(%dma_start3A_108 : memref<128x128xf32, #tpu.memory_space<vmem>>) target(%dma_start3A_114 : memref<10240x128xf32, #tpu.memory_space<vmem_shared>>) offsets(%dma_start3A_111 : memref<128xi32, #tpu.memory_space<vmem>>) semaphore(%run_scoped3A_104 : memref<!tpu.dma_semaphore, #tpu.memory_space<semaphore_mem>>) {add = true}
        %dma_wait3A_115 = arith.constant 0 : i32
        %dma_wait3A_116 = arith.constant 0 : i32
        %dma_wait3A_117 = tpu.memref_slice %arg9[%run_scoped3A_96, %dma_wait3A_115, %dma_wait3A_116] : memref<2x128x128xf32, #tpu.memory_space<vmem>> -> memref<1x128x128xf32, #tpu.memory_space<vmem>>
        %dma_wait3A_118 = tpu.memref_squeeze %dma_wait3A_117 : memref<1x128x128xf32, #tpu.memory_space<vmem>> -> memref<128x128xf32, #tpu.memory_space<vmem>>
        %dma_wait3A_119 = arith.constant 0 : i32
        %dma_wait3A_120 = tpu.memref_slice %arg8[%add3A_70, %dma_wait3A_119] : memref<40x128xi32, #tpu.memory_space<vmem>> -> memref<1x128xi32, #tpu.memory_space<vmem>>
        %dma_wait3A_121 = tpu.memref_squeeze %dma_wait3A_120 : memref<1x128xi32, #tpu.memory_space<vmem>> -> memref<128xi32, #tpu.memory_space<vmem>>
        %dma_wait3A_122 = arith.constant 0 : i32
        %dma_wait3A_123 = arith.constant 0 : i32
        %dma_wait3A_124 = tpu.memref_slice %arg10[%dma_wait3A_122, %dma_wait3A_123] : memref<10240x128xf32, #tpu.memory_space<vmem_shared>> -> memref<10240x128xf32, #tpu.memory_space<vmem_shared>>
        tpu.wait_indirect_dma semaphore(%run_scoped3A_104 : memref<!tpu.dma_semaphore, #tpu.memory_space<semaphore_mem>>) src(%dma_wait3A_118 : memref<128x128xf32, #tpu.memory_space<vmem>>) dst(%dma_wait3A_124 : memref<10240x128xf32, #tpu.memory_space<vmem_shared>>)
        tpu.yield
      }) : () -> ()
      %add3A_97 = arith.constant 2 : i32
      %add3A_98 = arith.addi %add3A_70, %add3A_97 : i32
      %lt3A_99 = arith.constant 40 : i32
      %lt3A_100 = arith.cmpi slt, %add3A_98, %lt3A_99 : i32
      %convert_element_type3A_101 = arith.extui %lt3A_100 : i1 to i32
      %cond3A_102 = arith.constant 0 : i32
      %cond3A_103 = arith.cmpi ne, %convert_element_type3A_101, %cond3A_102 : i32
      scf.if %cond3A_103 {
        %add3A_104 = arith.constant 2 : i32
        %add3A_105 = arith.addi %add3A_70, %add3A_104 : i32
        %dma_start3A_106 = arith.constant 1 : i32
        %dma_start3A_107 = arith.constant 0 : i32
        %dma_start3A_108 = arith.constant 0 : i32
        %dma_start3A_109 = tpu.memref_slice %arg9[%dma_start3A_106, %dma_start3A_107, %dma_start3A_108] : memref<2x128x128xf32, #tpu.memory_space<vmem>> -> memref<1x128x128xf32, #tpu.memory_space<vmem>>
        %dma_start3A_110 = tpu.memref_squeeze %dma_start3A_109 : memref<1x128x128xf32, #tpu.memory_space<vmem>> -> memref<128x128xf32, #tpu.memory_space<vmem>>
        %dma_start3A_111 = arith.constant 0 : i32
        %dma_start3A_112 = tpu.memref_slice %arg7[%add3A_105, %dma_start3A_111] : memref<40x128xi32, #tpu.memory_space<vmem>> -> memref<1x128xi32, #tpu.memory_space<vmem>>
        %dma_start3A_113 = tpu.memref_squeeze %dma_start3A_112 : memref<1x128xi32, #tpu.memory_space<vmem>> -> memref<128xi32, #tpu.memory_space<vmem>>
        %dma_start3A_114 = arith.constant 0 : i32
        %dma_start3A_115 = arith.constant 0 : i32
        %dma_start3A_116 = tpu.memref_slice %arg2[%dma_start3A_114, %dma_start3A_115] : memref<10240x128xf32, #tpu.memory_space<hbm>> -> memref<10240x128xf32, #tpu.memory_space<hbm>>
        tpu.enqueue_indirect_dma source(%dma_start3A_116 : memref<10240x128xf32, #tpu.memory_space<hbm>>) target(%dma_start3A_110 : memref<128x128xf32, #tpu.memory_space<vmem>>) offsets(%dma_start3A_113 : memref<128xi32, #tpu.memory_space<vmem>>) semaphore(%arg12 : memref<!tpu.dma_semaphore, #tpu.memory_space<semaphore_mem>>)
      } else {
      }
    }
    %scan3A_60 = arith.constant 20 : i32
    %barrier3A_61 = arith.constant 0 : index
    tpu.barrier barrier_id(%barrier3A_61)
    %mul3A_62 = arith.constant 640 : i32
    %mul3A_63 = arith.muli %arg1, %mul3A_62 : i32
    %mul3A_64 = arith.constant 640 : i32
    %mul3A_65 = arith.muli %arg1, %mul3A_64 : i32
    "tpu.region"() ({
      %run_scoped3A = tpu.sem_alloc : memref<!tpu.dma_semaphore, #tpu.memory_space<semaphore_mem>>
      %dma_start3A_66 = arith.constant 0 : i32
      %dma_start3A_67 = tpu.memref_slice %arg6[%arg0, %mul3A_65, %dma_start3A_66] : memref<2x10240x128xf32, #tpu.memory_space<hbm>> -> memref<1x640x128xf32, #tpu.memory_space<hbm>>
      %dma_start3A_68 = tpu.memref_squeeze %dma_start3A_67 : memref<1x640x128xf32, #tpu.memory_space<hbm>> -> memref<640x128xf32, #tpu.memory_space<hbm>>
      %dma_start3A_69 = arith.constant 0 : i32
      %dma_start3A_70 = tpu.memref_slice %arg10[%mul3A_63, %dma_start3A_69] : memref<10240x128xf32, #tpu.memory_space<vmem_shared>> -> memref<640x128xf32, #tpu.memory_space<vmem_shared>>
      tpu.enqueue_dma source(%dma_start3A_70 : memref<640x128xf32, #tpu.memory_space<vmem_shared>>) target(%dma_start3A_68 : memref<640x128xf32, #tpu.memory_space<hbm>>) target_semaphore(%run_scoped3A : memref<!tpu.dma_semaphore, #tpu.memory_space<semaphore_mem>>)
      %dma_wait3A = arith.constant 0 : i32
      %dma_wait3A_71 = tpu.memref_slice %arg6[%arg0, %mul3A_65, %dma_wait3A] : memref<2x10240x128xf32, #tpu.memory_space<hbm>> -> memref<1x640x128xf32, #tpu.memory_space<hbm>>
      %dma_wait3A_72 = tpu.memref_squeeze %dma_wait3A_71 : memref<1x640x128xf32, #tpu.memory_space<hbm>> -> memref<640x128xf32, #tpu.memory_space<hbm>>
      %dma_wait3A_73 = arith.constant 0 : i32
      %dma_wait3A_74 = tpu.memref_slice %arg10[%mul3A_63, %dma_wait3A_73] : memref<10240x128xf32, #tpu.memory_space<vmem_shared>> -> memref<640x128xf32, #tpu.memory_space<vmem_shared>>
      tpu.wait_dma2 semaphore(%run_scoped3A : memref<!tpu.dma_semaphore, #tpu.memory_space<semaphore_mem>>) src(%dma_wait3A_74 : memref<640x128xf32, #tpu.memory_space<vmem_shared>>) dst(%dma_wait3A_72 : memref<640x128xf32, #tpu.memory_space<hbm>>)
      tpu.yield
    }) : () -> ()
    return
  }
}

#map = affine_map<(d0, d1) -> (0, 0, 0)>
#map1 = affine_map<(d0, d1) -> (0)>
#map2 = affine_map<(d0, d1) -> (0, 0)>
module attributes {stable_mosaic.version = 14 : i64} {
  func.func @_deg_kernel(%arg0: i32, %arg1: i32, %arg2: memref<32x80x128xi32, #tpu.memory_space<hbm>>, %arg3: memref<32x80x128xi32, #tpu.memory_space<hbm>>, %arg4: memref<10240xf32, #tpu.memory_space<hbm>>, %arg5: memref<32x10240xf32, #tpu.memory_space<hbm>>, %arg6: memref<32x10240xf32, #tpu.memory_space<hbm>>, %arg7: memref<80x128xi32, #tpu.memory_space<vmem>>, %arg8: memref<80x128xi32, #tpu.memory_space<vmem>>, %arg9: memref<10240xf32, #tpu.memory_space<vmem>>, %arg10: memref<10240xf32, #tpu.memory_space<vmem>>) attributes {dimension_semantics = [#tpu.dimension_semantics<core_parallel>, #tpu.dimension_semantics<subcore_parallel>], iteration_bounds = array<i64: 2, 16>, scalar_prefetch = 0 : i64, scratch_operands = 4 : i64, tpu.core_type = #tpu.core_type<sc_vector_subcore>, window_params = [{transform_indices = #map}, {transform_indices = #map}, {transform_indices = #map1}, {transform_indices = #map2}, {transform_indices = #map2}]} {
    %mul3A = arith.constant 16 : i32
    %mul3A_0 = arith.muli %arg0, %mul3A : i32
    %add3A = arith.addi %mul3A_0, %arg1 : i32
    "tpu.region"() ({
      %run_scoped3A = tpu.sem_alloc : memref<!tpu.dma_semaphore, #tpu.memory_space<semaphore_mem>>
      %dma_start3A = arith.constant 0 : i32
      %dma_start3A_7 = arith.constant 0 : i32
      %dma_start3A_8 = tpu.memref_slice %arg2[%add3A, %dma_start3A, %dma_start3A_7] : memref<32x80x128xi32, #tpu.memory_space<hbm>> -> memref<1x80x128xi32, #tpu.memory_space<hbm>>
      %dma_start3A_9 = tpu.memref_squeeze %dma_start3A_8 : memref<1x80x128xi32, #tpu.memory_space<hbm>> -> memref<80x128xi32, #tpu.memory_space<hbm>>
      %dma_start3A_10 = arith.constant 0 : i32
      %dma_start3A_11 = arith.constant 0 : i32
      %dma_start3A_12 = tpu.memref_slice %arg2[%add3A, %dma_start3A_10, %dma_start3A_11] : memref<32x80x128xi32, #tpu.memory_space<hbm>> -> memref<1x80x128xi32, #tpu.memory_space<hbm>>
      %dma_start3A_13 = tpu.memref_squeeze %dma_start3A_12 : memref<1x80x128xi32, #tpu.memory_space<hbm>> -> memref<80x128xi32, #tpu.memory_space<hbm>>
      tpu.enqueue_dma source(%dma_start3A_13 : memref<80x128xi32, #tpu.memory_space<hbm>>) target(%arg7 : memref<80x128xi32, #tpu.memory_space<vmem>>) target_semaphore(%run_scoped3A : memref<!tpu.dma_semaphore, #tpu.memory_space<semaphore_mem>>)
      %dma_wait3A = arith.constant 0 : i32
      %dma_wait3A_14 = arith.constant 0 : i32
      %dma_wait3A_15 = tpu.memref_slice %arg2[%add3A, %dma_wait3A, %dma_wait3A_14] : memref<32x80x128xi32, #tpu.memory_space<hbm>> -> memref<1x80x128xi32, #tpu.memory_space<hbm>>
      %dma_wait3A_16 = tpu.memref_squeeze %dma_wait3A_15 : memref<1x80x128xi32, #tpu.memory_space<hbm>> -> memref<80x128xi32, #tpu.memory_space<hbm>>
      %dma_wait3A_17 = arith.constant 0 : i32
      %dma_wait3A_18 = arith.constant 0 : i32
      %dma_wait3A_19 = tpu.memref_slice %arg2[%add3A, %dma_wait3A_17, %dma_wait3A_18] : memref<32x80x128xi32, #tpu.memory_space<hbm>> -> memref<1x80x128xi32, #tpu.memory_space<hbm>>
      %dma_wait3A_20 = tpu.memref_squeeze %dma_wait3A_19 : memref<1x80x128xi32, #tpu.memory_space<hbm>> -> memref<80x128xi32, #tpu.memory_space<hbm>>
      tpu.wait_dma2 semaphore(%run_scoped3A : memref<!tpu.dma_semaphore, #tpu.memory_space<semaphore_mem>>) src(%dma_wait3A_20 : memref<80x128xi32, #tpu.memory_space<hbm>>) dst(%arg7 : memref<80x128xi32, #tpu.memory_space<vmem>>)
      tpu.yield
    }) : () -> ()
    "tpu.region"() ({
      %run_scoped3A = tpu.sem_alloc : memref<!tpu.dma_semaphore, #tpu.memory_space<semaphore_mem>>
      %dma_start3A = arith.constant 0 : i32
      %dma_start3A_7 = arith.constant 0 : i32
      %dma_start3A_8 = tpu.memref_slice %arg3[%add3A, %dma_start3A, %dma_start3A_7] : memref<32x80x128xi32, #tpu.memory_space<hbm>> -> memref<1x80x128xi32, #tpu.memory_space<hbm>>
      %dma_start3A_9 = tpu.memref_squeeze %dma_start3A_8 : memref<1x80x128xi32, #tpu.memory_space<hbm>> -> memref<80x128xi32, #tpu.memory_space<hbm>>
      %dma_start3A_10 = arith.constant 0 : i32
      %dma_start3A_11 = arith.constant 0 : i32
      %dma_start3A_12 = tpu.memref_slice %arg3[%add3A, %dma_start3A_10, %dma_start3A_11] : memref<32x80x128xi32, #tpu.memory_space<hbm>> -> memref<1x80x128xi32, #tpu.memory_space<hbm>>
      %dma_start3A_13 = tpu.memref_squeeze %dma_start3A_12 : memref<1x80x128xi32, #tpu.memory_space<hbm>> -> memref<80x128xi32, #tpu.memory_space<hbm>>
      tpu.enqueue_dma source(%dma_start3A_13 : memref<80x128xi32, #tpu.memory_space<hbm>>) target(%arg8 : memref<80x128xi32, #tpu.memory_space<vmem>>) target_semaphore(%run_scoped3A : memref<!tpu.dma_semaphore, #tpu.memory_space<semaphore_mem>>)
      %dma_wait3A = arith.constant 0 : i32
      %dma_wait3A_14 = arith.constant 0 : i32
      %dma_wait3A_15 = tpu.memref_slice %arg3[%add3A, %dma_wait3A, %dma_wait3A_14] : memref<32x80x128xi32, #tpu.memory_space<hbm>> -> memref<1x80x128xi32, #tpu.memory_space<hbm>>
      %dma_wait3A_16 = tpu.memref_squeeze %dma_wait3A_15 : memref<1x80x128xi32, #tpu.memory_space<hbm>> -> memref<80x128xi32, #tpu.memory_space<hbm>>
      %dma_wait3A_17 = arith.constant 0 : i32
      %dma_wait3A_18 = arith.constant 0 : i32
      %dma_wait3A_19 = tpu.memref_slice %arg3[%add3A, %dma_wait3A_17, %dma_wait3A_18] : memref<32x80x128xi32, #tpu.memory_space<hbm>> -> memref<1x80x128xi32, #tpu.memory_space<hbm>>
      %dma_wait3A_20 = tpu.memref_squeeze %dma_wait3A_19 : memref<1x80x128xi32, #tpu.memory_space<hbm>> -> memref<80x128xi32, #tpu.memory_space<hbm>>
      tpu.wait_dma2 semaphore(%run_scoped3A : memref<!tpu.dma_semaphore, #tpu.memory_space<semaphore_mem>>) src(%dma_wait3A_20 : memref<80x128xi32, #tpu.memory_space<hbm>>) dst(%arg8 : memref<80x128xi32, #tpu.memory_space<vmem>>)
      tpu.yield
    }) : () -> ()
    "tpu.region"() ({
      %run_scoped3A = tpu.sem_alloc : memref<!tpu.dma_semaphore, #tpu.memory_space<semaphore_mem>>
      tpu.enqueue_dma source(%arg4 : memref<10240xf32, #tpu.memory_space<hbm>>) target(%arg9 : memref<10240xf32, #tpu.memory_space<vmem>>) target_semaphore(%run_scoped3A : memref<!tpu.dma_semaphore, #tpu.memory_space<semaphore_mem>>)
      tpu.wait_dma2 semaphore(%run_scoped3A : memref<!tpu.dma_semaphore, #tpu.memory_space<semaphore_mem>>) src(%arg4 : memref<10240xf32, #tpu.memory_space<hbm>>) dst(%arg9 : memref<10240xf32, #tpu.memory_space<vmem>>)
      tpu.yield
    }) : () -> ()
    "tpu.region"() ({
      %run_scoped3A = tpu.sem_alloc : memref<!tpu.dma_semaphore, #tpu.memory_space<semaphore_mem>>
      tpu.enqueue_dma source(%arg4 : memref<10240xf32, #tpu.memory_space<hbm>>) target(%arg10 : memref<10240xf32, #tpu.memory_space<vmem>>) target_semaphore(%run_scoped3A : memref<!tpu.dma_semaphore, #tpu.memory_space<semaphore_mem>>)
      tpu.wait_dma2 semaphore(%run_scoped3A : memref<!tpu.dma_semaphore, #tpu.memory_space<semaphore_mem>>) src(%arg4 : memref<10240xf32, #tpu.memory_space<hbm>>) dst(%arg10 : memref<10240xf32, #tpu.memory_space<vmem>>)
      tpu.yield
    }) : () -> ()
    %broadcast_in_dim3A = arith.constant 1.000000e+00 : f32
    %broadcast_in_dim3A_1 = vector.broadcast %broadcast_in_dim3A : f32 to vector<16xf32>
    %scan3A = arith.constant 0 : i32
    %scan3A_2 = arith.constant 0 : i32
    %scan3A_3 = arith.constant 80 : i32
    %scan3A_4 = arith.addi %scan3A_2, %scan3A_3 : i32
    %scan3A_5 = arith.constant 1 : i32
    scf.for %scan3A_7 = %scan3A_2 to %scan3A_4 step %scan3A_5  : i32 {
      %scan3A_8 = arith.constant 0 : i32
      %scan3A_9 = arith.constant 8 : i32
      %scan3A_10 = arith.addi %scan3A_8, %scan3A_9 : i32
      %scan3A_11 = arith.constant 1 : i32
      scf.for %scan3A_13 = %scan3A_8 to %scan3A_10 step %scan3A_11  : i32 {
        %mul3A_14 = arith.constant 16 : i32
        %mul3A_15 = arith.muli %scan3A_13, %mul3A_14 : i32
        %get3A = arith.index_cast %scan3A_7 : i32 to index
        %get3A_16 = arith.index_cast %mul3A_15 : i32 to index
        %get3A_17 = tpu.vector_load %arg7[%get3A, %get3A_16] {strides = array<i32>} : memref<80x128xi32, #tpu.memory_space<vmem>>, vector<16xi32>,
        %mul3A_18 = arith.constant 16 : i32
        %mul3A_19 = arith.muli %scan3A_13, %mul3A_18 : i32
        %get3A_20 = arith.index_cast %scan3A_7 : i32 to index
        %get3A_21 = arith.index_cast %mul3A_19 : i32 to index
        %get3A_22 = tpu.vector_load %arg8[%get3A_20, %get3A_21] {strides = array<i32>} : memref<80x128xi32, #tpu.memory_space<vmem>>, vector<16xi32>,
        tpu.vector_store_idx %arg9[%get3A_17], %broadcast_in_dim3A_1 {add = true} : memref<10240xf32, #tpu.memory_space<vmem>>[vector<16xi32>], vector<16xf32>,
        tpu.vector_store_idx %arg10[%get3A_22], %broadcast_in_dim3A_1 {add = true} : memref<10240xf32, #tpu.memory_space<vmem>>[vector<16xi32>], vector<16xf32>,
      }
      %scan3A_12 = arith.constant 8 : i32
    }
    %scan3A_6 = arith.constant 80 : i32
    "tpu.region"() ({
      %run_scoped3A = tpu.sem_alloc : memref<!tpu.dma_semaphore, #tpu.memory_space<semaphore_mem>>
      %dma_start3A = arith.constant 0 : i32
      %dma_start3A_7 = tpu.memref_slice %arg5[%add3A, %dma_start3A] : memref<32x10240xf32, #tpu.memory_space<hbm>> -> memref<1x10240xf32, #tpu.memory_space<hbm>>
      %dma_start3A_8 = tpu.memref_squeeze %dma_start3A_7 : memref<1x10240xf32, #tpu.memory_space<hbm>> -> memref<10240xf32, #tpu.memory_space<hbm>>
      %dma_start3A_9 = arith.constant 0 : i32
      %dma_start3A_10 = tpu.memref_slice %arg5[%add3A, %dma_start3A_9] : memref<32x10240xf32, #tpu.memory_space<hbm>> -> memref<1x10240xf32, #tpu.memory_space<hbm>>
      %dma_start3A_11 = tpu.memref_squeeze %dma_start3A_10 : memref<1x10240xf32, #tpu.memory_space<hbm>> -> memref<10240xf32, #tpu.memory_space<hbm>>
      tpu.enqueue_dma source(%arg9 : memref<10240xf32, #tpu.memory_space<vmem>>) target(%dma_start3A_11 : memref<10240xf32, #tpu.memory_space<hbm>>) target_semaphore(%run_scoped3A : memref<!tpu.dma_semaphore, #tpu.memory_space<semaphore_mem>>)
      %dma_wait3A = arith.constant 0 : i32
      %dma_wait3A_12 = tpu.memref_slice %arg5[%add3A, %dma_wait3A] : memref<32x10240xf32, #tpu.memory_space<hbm>> -> memref<1x10240xf32, #tpu.memory_space<hbm>>
      %dma_wait3A_13 = tpu.memref_squeeze %dma_wait3A_12 : memref<1x10240xf32, #tpu.memory_space<hbm>> -> memref<10240xf32, #tpu.memory_space<hbm>>
      %dma_wait3A_14 = arith.constant 0 : i32
      %dma_wait3A_15 = tpu.memref_slice %arg5[%add3A, %dma_wait3A_14] : memref<32x10240xf32, #tpu.memory_space<hbm>> -> memref<1x10240xf32, #tpu.memory_space<hbm>>
      %dma_wait3A_16 = tpu.memref_squeeze %dma_wait3A_15 : memref<1x10240xf32, #tpu.memory_space<hbm>> -> memref<10240xf32, #tpu.memory_space<hbm>>
      tpu.wait_dma2 semaphore(%run_scoped3A : memref<!tpu.dma_semaphore, #tpu.memory_space<semaphore_mem>>) src(%arg9 : memref<10240xf32, #tpu.memory_space<vmem>>) dst(%dma_wait3A_16 : memref<10240xf32, #tpu.memory_space<hbm>>)
      tpu.yield
    }) : () -> ()
    "tpu.region"() ({
      %run_scoped3A = tpu.sem_alloc : memref<!tpu.dma_semaphore, #tpu.memory_space<semaphore_mem>>
      %dma_start3A = arith.constant 0 : i32
      %dma_start3A_7 = tpu.memref_slice %arg6[%add3A, %dma_start3A] : memref<32x10240xf32, #tpu.memory_space<hbm>> -> memref<1x10240xf32, #tpu.memory_space<hbm>>
      %dma_start3A_8 = tpu.memref_squeeze %dma_start3A_7 : memref<1x10240xf32, #tpu.memory_space<hbm>> -> memref<10240xf32, #tpu.memory_space<hbm>>
      %dma_start3A_9 = arith.constant 0 : i32
      %dma_start3A_10 = tpu.memref_slice %arg6[%add3A, %dma_start3A_9] : memref<32x10240xf32, #tpu.memory_space<hbm>> -> memref<1x10240xf32, #tpu.memory_space<hbm>>
      %dma_start3A_11 = tpu.memref_squeeze %dma_start3A_10 : memref<1x10240xf32, #tpu.memory_space<hbm>> -> memref<10240xf32, #tpu.memory_space<hbm>>
      tpu.enqueue_dma source(%arg10 : memref<10240xf32, #tpu.memory_space<vmem>>) target(%dma_start3A_11 : memref<10240xf32, #tpu.memory_space<hbm>>) target_semaphore(%run_scoped3A : memref<!tpu.dma_semaphore, #tpu.memory_space<semaphore_mem>>)
      %dma_wait3A = arith.constant 0 : i32
      %dma_wait3A_12 = tpu.memref_slice %arg6[%add3A, %dma_wait3A] : memref<32x10240xf32, #tpu.memory_space<hbm>> -> memref<1x10240xf32, #tpu.memory_space<hbm>>
      %dma_wait3A_13 = tpu.memref_squeeze %dma_wait3A_12 : memref<1x10240xf32, #tpu.memory_space<hbm>> -> memref<10240xf32, #tpu.memory_space<hbm>>
      %dma_wait3A_14 = arith.constant 0 : i32
      %dma_wait3A_15 = tpu.memref_slice %arg6[%add3A, %dma_wait3A_14] : memref<32x10240xf32, #tpu.memory_space<hbm>> -> memref<1x10240xf32, #tpu.memory_space<hbm>>
      %dma_wait3A_16 = tpu.memref_squeeze %dma_wait3A_15 : memref<1x10240xf32, #tpu.memory_space<hbm>> -> memref<10240xf32, #tpu.memory_space<hbm>>
      tpu.wait_dma2 semaphore(%run_scoped3A : memref<!tpu.dma_semaphore, #tpu.memory_space<semaphore_mem>>) src(%arg10 : memref<10240xf32, #tpu.memory_space<vmem>>) dst(%dma_wait3A_16 : memref<10240xf32, #tpu.memory_space<hbm>>)
      tpu.yield
    }) : () -> ()
    return
  }
}

module attributes {stable_mosaic.version = 14 : i64} {
  func.func @_l1_kernel(%arg0: i32, %arg1: memref<512x128xf32, #tpu.memory_space<vmem>>, %arg2: memref<128x128xf32, #tpu.memory_space<vmem>>, %arg3: memref<32x512xf32, #tpu.memory_space<vmem>>, %arg4: memref<512x128xf32, #tpu.memory_space<vmem>>) attributes {dimension_semantics = [#tpu.dimension_semantics<arbitrary>], iteration_bounds = array<i64: 20>, scalar_prefetch = 0 : i64, scratch_operands = 0 : i64, tpu.core_type = #tpu.core_type<tc>, window_params = [{transform_indices = @transform_0, window_bounds = array<i64: 512, 128>}, {pipeline_mode = #tpu.pipeline_mode<synchronous>, transform_indices = @transform_1, window_bounds = array<i64: 128, 128>}, {transform_indices = @transform_2, window_bounds = array<i64: 32, 512>}, {transform_indices = @transform_3, window_bounds = array<i64: 512, 128>}]} {
    %get3A = arith.constant 0 : index
    %get3A_0 = arith.constant 0 : index
    %get3A_1 = vector.load %arg1[%get3A, %get3A_0] : memref<512x128xf32, #tpu.memory_space<vmem>>, vector<512x128xf32>
    %get3A_2 = arith.constant 0 : index
    %get3A_3 = arith.constant 0 : index
    %get3A_4 = vector.load %arg3[%get3A_2, %get3A_3] : memref<32x512xf32, #tpu.memory_space<vmem>>, vector<32x512xf32>
    %reduce_sum3A = arith.constant dense<0.000000e+00> : vector<512xf32>
    %reduce_sum3A_5 = vector.multi_reduction <add>, %get3A_4, %reduce_sum3A [0] : vector<32x512xf32> to vector<512xf32>
    %broadcast_in_dim3A = vector.shape_cast %reduce_sum3A_5 : vector<512xf32> to vector<1x512xf32>
    %gt3A = arith.constant 0.000000e+00 : f32
    %gt3A_6 = vector.broadcast %gt3A : f32 to vector<1x512xf32>
    %gt3A_7 = arith.cmpf ogt, %broadcast_in_dim3A, %gt3A_6 : vector<1x512xf32>
    %max3A = arith.constant 1.000000e+00 : f32
    %max3A_8 = vector.broadcast %max3A : f32 to vector<1x512xf32>
    %max3A_9 = arith.maximumf %broadcast_in_dim3A, %max3A_8 : vector<1x512xf32>
    %rsqrt3A = math.rsqrt %max3A_9 : vector<1x512xf32>
    %jit3A = arith.constant 0.000000e+00 : f32
    %broadcast_in_dim3A_10 = vector.broadcast %jit3A : f32 to vector<1x512xf32>
    %select_n3A = arith.select %gt3A_7, %rsqrt3A, %broadcast_in_dim3A_10 : vector<1x512xi1>, vector<1x512xf32>
    %transpose3A = tpu.transpose %select_n3A, [1, 0] : vector<1x512xf32> -> vector<512x1xf32>
    %mul3A = vector.broadcast %transpose3A : vector<512x1xf32> to vector<512x128xf32>
    %mul3A_11 = arith.mulf %get3A_1, %mul3A : vector<512x128xf32>
    %get3A_12 = arith.constant 0 : index
    %get3A_13 = arith.constant 0 : index
    %get3A_14 = vector.load %arg2[%get3A_12, %get3A_13] : memref<128x128xf32, #tpu.memory_space<vmem>>, vector<128x128xf32>
    %dot_general3A = arith.constant dense<0.000000e+00> : vector<512x128xf32>
    %dot_general3A_15 = tpu.matmul %mul3A_11, %get3A_14, %dot_general3A {dimension_numbers = #tpu.dot_dimension_numbers<[1], [0], [0], [1], [0, 0, 1, 1], [], []>, transpose_lhs_hint = false} : vector<512x128xf32>, vector<128x128xf32>, vector<512x128xf32> -> vector<512x128xf32>
    %swap3A = arith.constant 0 : index
    %swap3A_16 = arith.constant 0 : index
    %swap3A_17 = vector.load %arg4[%swap3A, %swap3A_16] : memref<512x128xf32, #tpu.memory_space<vmem>>, vector<512x128xf32>
    tpu.vector_store %arg4[%swap3A, %swap3A_16], %dot_general3A_15 {strides = array<i32>} : memref<512x128xf32, #tpu.memory_space<vmem>>, vector<512x128xf32>,
    return
  }
  func.func @transform_0(%arg0: i32) -> (i32, i32) {
    %c0_i32 = arith.constant 0 : i32
    %c0_i32_0 = arith.constant 0 : i32
    return %arg0, %c0_i32 : i32, i32
  }
  func.func @transform_1(%arg0: i32) -> (i32, i32) {
    %c0_i32 = arith.constant 0 : i32
    %c0_i32_0 = arith.constant 0 : i32
    %c0_i32_1 = arith.constant 0 : i32
    return %c0_i32, %c0_i32_0 : i32, i32
  }
  func.func @transform_2(%arg0: i32) -> (i32, i32) {
    %c0_i32 = arith.constant 0 : i32
    %c0_i32_0 = arith.constant 0 : i32
    return %c0_i32, %arg0 : i32, i32
  }
  func.func @transform_3(%arg0: i32) -> (i32, i32) {
    %c0_i32 = arith.constant 0 : i32
    %c0_i32_0 = arith.constant 0 : i32
    return %arg0, %c0_i32 : i32, i32
  }
}

module attributes {stable_mosaic.version = 14 : i64} {
  func.func @_l2_kernel(%arg0: i32, %arg1: memref<2x512x128xf32, #tpu.memory_space<vmem>>, %arg2: memref<32x512xf32, #tpu.memory_space<vmem>>, %arg3: memref<32x512xf32, #tpu.memory_space<vmem>>, %arg4: memref<1x128xf32, #tpu.memory_space<vmem>>, %arg5: memref<128x64xf32, #tpu.memory_space<vmem>>, %arg6: memref<512x64xf32, #tpu.memory_space<vmem>>) attributes {dimension_semantics = [#tpu.dimension_semantics<arbitrary>], iteration_bounds = array<i64: 20>, scalar_prefetch = 0 : i64, scratch_operands = 0 : i64, tpu.core_type = #tpu.core_type<tc>, window_params = [{transform_indices = @transform_0, window_bounds = array<i64: 2, 512, 128>}, {transform_indices = @transform_1, window_bounds = array<i64: 32, 512>}, {transform_indices = @transform_2, window_bounds = array<i64: 32, 512>}, {pipeline_mode = #tpu.pipeline_mode<synchronous>, transform_indices = @transform_3, window_bounds = array<i64: 1, 128>}, {pipeline_mode = #tpu.pipeline_mode<synchronous>, transform_indices = @transform_4, window_bounds = array<i64: 128, 64>}, {transform_indices = @transform_5, window_bounds = array<i64: 512, 64>}]} {
    %get3A = arith.constant 0 : index
    %get3A_0 = arith.constant 0 : index
    %get3A_1 = arith.constant 0 : index
    %get3A_2 = vector.load %arg1[%get3A, %get3A_0, %get3A_1] : memref<2x512x128xf32, #tpu.memory_space<vmem>>, vector<1x512x128xf32>
    %get3A_3 = vector.shape_cast %get3A_2 : vector<1x512x128xf32> to vector<512x128xf32>
    %get3A_4 = arith.constant 1 : index
    %get3A_5 = arith.constant 0 : index
    %get3A_6 = arith.constant 0 : index
    %get3A_7 = vector.load %arg1[%get3A_4, %get3A_5, %get3A_6] : memref<2x512x128xf32, #tpu.memory_space<vmem>>, vector<1x512x128xf32>
    %get3A_8 = vector.shape_cast %get3A_7 : vector<1x512x128xf32> to vector<512x128xf32>
    %add3A = arith.addf %get3A_3, %get3A_8 : vector<512x128xf32>
    %get3A_9 = arith.constant 0 : index
    %get3A_10 = arith.constant 0 : index
    %get3A_11 = vector.load %arg2[%get3A_9, %get3A_10] : memref<32x512xf32, #tpu.memory_space<vmem>>, vector<32x512xf32>
    %reduce_sum3A = arith.constant dense<0.000000e+00> : vector<512xf32>
    %reduce_sum3A_12 = vector.multi_reduction <add>, %get3A_11, %reduce_sum3A [0] : vector<32x512xf32> to vector<512xf32>
    %broadcast_in_dim3A = vector.shape_cast %reduce_sum3A_12 : vector<512xf32> to vector<1x512xf32>
    %gt3A = arith.constant 0.000000e+00 : f32
    %gt3A_13 = vector.broadcast %gt3A : f32 to vector<1x512xf32>
    %gt3A_14 = arith.cmpf ogt, %broadcast_in_dim3A, %gt3A_13 : vector<1x512xf32>
    %max3A = arith.constant 1.000000e+00 : f32
    %max3A_15 = vector.broadcast %max3A : f32 to vector<1x512xf32>
    %max3A_16 = arith.maximumf %broadcast_in_dim3A, %max3A_15 : vector<1x512xf32>
    %rsqrt3A = math.rsqrt %max3A_16 : vector<1x512xf32>
    %jit3A = arith.constant 0.000000e+00 : f32
    %broadcast_in_dim3A_17 = vector.broadcast %jit3A : f32 to vector<1x512xf32>
    %select_n3A = arith.select %gt3A_14, %rsqrt3A, %broadcast_in_dim3A_17 : vector<1x512xi1>, vector<1x512xf32>
    %transpose3A = tpu.transpose %select_n3A, [1, 0] : vector<1x512xf32> -> vector<512x1xf32>
    %mul3A = vector.broadcast %transpose3A : vector<512x1xf32> to vector<512x128xf32>
    %mul3A_18 = arith.mulf %add3A, %mul3A : vector<512x128xf32>
    %get3A_19 = arith.constant 0 : index
    %get3A_20 = arith.constant 0 : index
    %get3A_21 = vector.load %arg4[%get3A_19, %get3A_20] : memref<1x128xf32, #tpu.memory_space<vmem>>, vector<1x128xf32>
    %add3A_22 = vector.broadcast %get3A_21 : vector<1x128xf32> to vector<512x128xf32>
    %add3A_23 = arith.addf %mul3A_18, %add3A_22 : vector<512x128xf32>
    %max3A_24 = arith.constant 0.000000e+00 : f32
    %max3A_25 = vector.broadcast %max3A_24 : f32 to vector<512x128xf32>
    %max3A_26 = arith.maximumf %add3A_23, %max3A_25 : vector<512x128xf32>
    %get3A_27 = arith.constant 0 : index
    %get3A_28 = arith.constant 0 : index
    %get3A_29 = vector.load %arg3[%get3A_27, %get3A_28] : memref<32x512xf32, #tpu.memory_space<vmem>>, vector<32x512xf32>
    %reduce_sum3A_30 = arith.constant dense<0.000000e+00> : vector<512xf32>
    %reduce_sum3A_31 = vector.multi_reduction <add>, %get3A_29, %reduce_sum3A_30 [0] : vector<32x512xf32> to vector<512xf32>
    %broadcast_in_dim3A_32 = vector.shape_cast %reduce_sum3A_31 : vector<512xf32> to vector<1x512xf32>
    %gt3A_33 = arith.constant 0.000000e+00 : f32
    %gt3A_34 = vector.broadcast %gt3A_33 : f32 to vector<1x512xf32>
    %gt3A_35 = arith.cmpf ogt, %broadcast_in_dim3A_32, %gt3A_34 : vector<1x512xf32>
    %max3A_36 = arith.constant 1.000000e+00 : f32
    %max3A_37 = vector.broadcast %max3A_36 : f32 to vector<1x512xf32>
    %max3A_38 = arith.maximumf %broadcast_in_dim3A_32, %max3A_37 : vector<1x512xf32>
    %rsqrt3A_39 = math.rsqrt %max3A_38 : vector<1x512xf32>
    %jit3A_40 = arith.constant 0.000000e+00 : f32
    %broadcast_in_dim3A_41 = vector.broadcast %jit3A_40 : f32 to vector<1x512xf32>
    %select_n3A_42 = arith.select %gt3A_35, %rsqrt3A_39, %broadcast_in_dim3A_41 : vector<1x512xi1>, vector<1x512xf32>
    %transpose3A_43 = tpu.transpose %select_n3A_42, [1, 0] : vector<1x512xf32> -> vector<512x1xf32>
    %mul3A_44 = vector.broadcast %transpose3A_43 : vector<512x1xf32> to vector<512x128xf32>
    %mul3A_45 = arith.mulf %max3A_26, %mul3A_44 : vector<512x128xf32>
    %get3A_46 = arith.constant 0 : index
    %get3A_47 = arith.constant 0 : index
    %get3A_48 = vector.load %arg5[%get3A_46, %get3A_47] : memref<128x64xf32, #tpu.memory_space<vmem>>, vector<128x64xf32>
    %dot_general3A = arith.constant dense<0.000000e+00> : vector<512x64xf32>
    %dot_general3A_49 = tpu.matmul %mul3A_45, %get3A_48, %dot_general3A {dimension_numbers = #tpu.dot_dimension_numbers<[1], [0], [0], [1], [0, 0, 1, 1], [], []>, transpose_lhs_hint = false} : vector<512x128xf32>, vector<128x64xf32>, vector<512x64xf32> -> vector<512x64xf32>
    %swap3A = arith.constant 0 : index
    %swap3A_50 = arith.constant 0 : index
    %swap3A_51 = vector.load %arg6[%swap3A, %swap3A_50] : memref<512x64xf32, #tpu.memory_space<vmem>>, vector<512x64xf32>
    tpu.vector_store %arg6[%swap3A, %swap3A_50], %dot_general3A_49 {strides = array<i32>} : memref<512x64xf32, #tpu.memory_space<vmem>>, vector<512x64xf32>,
    return
  }
  func.func @transform_0(%arg0: i32) -> (i32, i32, i32) {
    %c0_i32 = arith.constant 0 : i32
    %c0_i32_0 = arith.constant 0 : i32
    %c0_i32_1 = arith.constant 0 : i32
    return %c0_i32, %arg0, %c0_i32_0 : i32, i32, i32
  }
  func.func @transform_1(%arg0: i32) -> (i32, i32) {
    %c0_i32 = arith.constant 0 : i32
    %c0_i32_0 = arith.constant 0 : i32
    return %c0_i32, %arg0 : i32, i32
  }
  func.func @transform_2(%arg0: i32) -> (i32, i32) {
    %c0_i32 = arith.constant 0 : i32
    %c0_i32_0 = arith.constant 0 : i32
    return %c0_i32, %arg0 : i32, i32
  }
  func.func @transform_3(%arg0: i32) -> (i32, i32) {
    %c0_i32 = arith.constant 0 : i32
    %c0_i32_0 = arith.constant 0 : i32
    %c0_i32_1 = arith.constant 0 : i32
    return %c0_i32, %c0_i32_0 : i32, i32
  }
  func.func @transform_4(%arg0: i32) -> (i32, i32) {
    %c0_i32 = arith.constant 0 : i32
    %c0_i32_0 = arith.constant 0 : i32
    %c0_i32_1 = arith.constant 0 : i32
    return %c0_i32, %c0_i32_0 : i32, i32
  }
  func.func @transform_5(%arg0: i32) -> (i32, i32) {
    %c0_i32 = arith.constant 0 : i32
    %c0_i32_0 = arith.constant 0 : i32
    return %arg0, %c0_i32 : i32, i32
  }
}

module attributes {stable_mosaic.version = 14 : i64} {
  func.func @_out_kernel(%arg0: i32, %arg1: memref<2x512x64xf32, #tpu.memory_space<vmem>>, %arg2: memref<32x512xf32, #tpu.memory_space<vmem>>, %arg3: memref<1x64xf32, #tpu.memory_space<vmem>>, %arg4: memref<512x64xf32, #tpu.memory_space<vmem>>) attributes {dimension_semantics = [#tpu.dimension_semantics<arbitrary>], iteration_bounds = array<i64: 20>, scalar_prefetch = 0 : i64, scratch_operands = 0 : i64, tpu.core_type = #tpu.core_type<tc>, window_params = [{transform_indices = @transform_0, window_bounds = array<i64: 2, 512, 64>}, {transform_indices = @transform_1, window_bounds = array<i64: 32, 512>}, {pipeline_mode = #tpu.pipeline_mode<synchronous>, transform_indices = @transform_2, window_bounds = array<i64: 1, 64>}, {transform_indices = @transform_3, window_bounds = array<i64: 512, 64>}]} {
    %get3A = arith.constant 0 : index
    %get3A_0 = arith.constant 0 : index
    %get3A_1 = arith.constant 0 : index
    %get3A_2 = vector.load %arg1[%get3A, %get3A_0, %get3A_1] : memref<2x512x64xf32, #tpu.memory_space<vmem>>, vector<1x512x64xf32>
    %get3A_3 = vector.shape_cast %get3A_2 : vector<1x512x64xf32> to vector<512x64xf32>
    %get3A_4 = arith.constant 1 : index
    %get3A_5 = arith.constant 0 : index
    %get3A_6 = arith.constant 0 : index
    %get3A_7 = vector.load %arg1[%get3A_4, %get3A_5, %get3A_6] : memref<2x512x64xf32, #tpu.memory_space<vmem>>, vector<1x512x64xf32>
    %get3A_8 = vector.shape_cast %get3A_7 : vector<1x512x64xf32> to vector<512x64xf32>
    %add3A = arith.addf %get3A_3, %get3A_8 : vector<512x64xf32>
    %get3A_9 = arith.constant 0 : index
    %get3A_10 = arith.constant 0 : index
    %get3A_11 = vector.load %arg2[%get3A_9, %get3A_10] : memref<32x512xf32, #tpu.memory_space<vmem>>, vector<32x512xf32>
    %reduce_sum3A = arith.constant dense<0.000000e+00> : vector<512xf32>
    %reduce_sum3A_12 = vector.multi_reduction <add>, %get3A_11, %reduce_sum3A [0] : vector<32x512xf32> to vector<512xf32>
    %broadcast_in_dim3A = vector.shape_cast %reduce_sum3A_12 : vector<512xf32> to vector<1x512xf32>
    %gt3A = arith.constant 0.000000e+00 : f32
    %gt3A_13 = vector.broadcast %gt3A : f32 to vector<1x512xf32>
    %gt3A_14 = arith.cmpf ogt, %broadcast_in_dim3A, %gt3A_13 : vector<1x512xf32>
    %max3A = arith.constant 1.000000e+00 : f32
    %max3A_15 = vector.broadcast %max3A : f32 to vector<1x512xf32>
    %max3A_16 = arith.maximumf %broadcast_in_dim3A, %max3A_15 : vector<1x512xf32>
    %rsqrt3A = math.rsqrt %max3A_16 : vector<1x512xf32>
    %jit3A = arith.constant 0.000000e+00 : f32
    %broadcast_in_dim3A_17 = vector.broadcast %jit3A : f32 to vector<1x512xf32>
    %select_n3A = arith.select %gt3A_14, %rsqrt3A, %broadcast_in_dim3A_17 : vector<1x512xi1>, vector<1x512xf32>
    %transpose3A = tpu.transpose %select_n3A, [1, 0] : vector<1x512xf32> -> vector<512x1xf32>
    %mul3A = vector.broadcast %transpose3A : vector<512x1xf32> to vector<512x64xf32>
    %mul3A_18 = arith.mulf %add3A, %mul3A : vector<512x64xf32>
    %get3A_19 = arith.constant 0 : index
    %get3A_20 = arith.constant 0 : index
    %get3A_21 = vector.load %arg3[%get3A_19, %get3A_20] : memref<1x64xf32, #tpu.memory_space<vmem>>, vector<1x64xf32>
    %add3A_22 = vector.broadcast %get3A_21 : vector<1x64xf32> to vector<512x64xf32>
    %add3A_23 = arith.addf %mul3A_18, %add3A_22 : vector<512x64xf32>
    %swap3A = arith.constant 0 : index
    %swap3A_24 = arith.constant 0 : index
    %swap3A_25 = vector.load %arg4[%swap3A, %swap3A_24] : memref<512x64xf32, #tpu.memory_space<vmem>>, vector<512x64xf32>
    tpu.vector_store %arg4[%swap3A, %swap3A_24], %add3A_23 {strides = array<i32>} : memref<512x64xf32, #tpu.memory_space<vmem>>, vector<512x64xf32>,
    return
  }
  func.func @transform_0(%arg0: i32) -> (i32, i32, i32) {
    %c0_i32 = arith.constant 0 : i32
    %c0_i32_0 = arith.constant 0 : i32
    %c0_i32_1 = arith.constant 0 : i32
    return %c0_i32, %arg0, %c0_i32_0 : i32, i32, i32
  }
  func.func @transform_1(%arg0: i32) -> (i32, i32) {
    %c0_i32 = arith.constant 0 : i32
    %c0_i32_0 = arith.constant 0 : i32
    return %c0_i32, %arg0 : i32, i32
  }
  func.func @transform_2(%arg0: i32) -> (i32, i32) {
    %c0_i32 = arith.constant 0 : i32
    %c0_i32_0 = arith.constant 0 : i32
    %c0_i32_1 = arith.constant 0 : i32
    return %c0_i32, %c0_i32_0 : i32, i32
  }
  func.func @transform_3(%arg0: i32) -> (i32, i32) {
    %c0_i32 = arith.constant 0 : i32
    %c0_i32_0 = arith.constant 0 : i32
    return %arg0, %c0_i32 : i32, i32
  }
}

</mosaic_0001>

<sc_bundles>
// kernel: kernel.11.cloned.1.call-start
scs
__scs_entry_jumppad:
0x0: {  	(pc) =	sbr.rel $0x88, $3  }
0x1: {  	(tag) =	ssettag $0x0;
	lr =	simm.s32 $0x1  }
0x2: {  	[smem:$0x3F9B] =	sst lr;
	_ =	strace $0xD0000000  }
0x3: {  	_ = 	snop  }
0x4: {  	_ = 	snop  }
0x5: {  	_ = 	snop  }
0x6: {  	_ = 	snop  }
0x7: {  	_ = 	snop  }
__scs_overlays_trampoline_lowered:
0x8: {  	[smem:$0x3FAA] =	sst s0  }
0x9: {  	[smem:$0x3FAB] =	sst s1  }
0xa: {  	[smem:$0x3FAC] =	sst s2  }
0xb: {  	[smem:$0x3FAD] =	sst s3  }
0xc: {  	[smem:$0x3FAE] =	sst s4  }
0xd: {  	[smem:$0x3FAF] =	sst s5  }
0xe: {  	[smem:$0x3FB0] =	sst s6  }
0xf: {  	[smem:$0x3FB1] =	sst s7  }
0x10: {  	[smem:$0x3FB2] =	sst s8  }
0x11: {  	[smem:$0x3FB3] =	sst s9;
	s0 =	simm.s32 @!p0 $0x0  }
0x12: {  	s1 =	sld [smem:$0x3F99];
	s0 =	simm.s32 @p0 $0x1  }
0x13: {  	[smem:$0x3FB4] =	sst s0;
	s0 =	simm.s32 @!p1 $0x0  }
0x14: {  	s2 =	sld [smem:$0x3F98];
	s0 =	simm.s32 @p1 $0x1  }
0x15: {  	[smem:$0x3FB5] =	sst s0;
	s0 =	simm.s32 @!p2 $0x0  }
0x16: {  	s3 =	sld [smem:$0x3FDB];
	s0 =	simm.s32 @p2 $0x1  }
0x17: {  	s4 =	simm.s32 $0x1BF5;
	[smem:$0x3FB7] =	sst s0  }
0x18: {  	s0 =	sld [smem:$0x3F9A];
	_ =	swait.ge [sflag:s4], $0x0  }
0x19: {  	s7 =	sld [smem:$0x3F9B]  }
0x1a: {  	s8 =	sadd.s32 $0xFFFFE003, lr  }
0x1b: {  	s9 =	sadd.s32 $0xFFFFFEF7, lr;
	s5 =	simm.s32 $0xFFFFFFFF;
	p2 =	slt.u32 s8, $0xFFFFF086  }
0x1c: {  	p1 =	slt.u32 s9, $0xF7A;
	s5 =	simm.s32 @!p2 $0x0  }
0x1d: {  	s5 =	simm.s32 @p1 $0x1;
	p0 =	seq.s32 s7, s2  }
0x1e: {  	s7 =	smul.u32 @!p0 $0xF7A, s2;
	p2 =	seq.s32 @!p0 s5, $0x0  }
0x1f: {  	s9 =	smul.u32 $0xF7A, s1;
	s8 =	simm.s32 @!p0 $0x1BF5;
	p2 =	por !p2, p0  }
0x20: {  	[sflag:s8] =	ssyncset.s32 @!p0 $0xFFFFF086;
	s6 =	sadd.s32 @!p0 s3, s7;
	s7 =	simm.s32 @!p0 $0x108  }
0x21: {  	s3 =	sadd.s32 s3, s9;
	s6 =	sadd.s32 @!p0 $0x88, s6;
	s7 =	simm.s32 @p2 $0x1082  }
0x22: {  	[simem:s7], [sflag:s8] =	dma.local @!p0 [hbm:s6], $0xF7A  }
0x23: {  	s9 =	sor.u32 $0xD0000000, s2;
	s6 =	simm.s32 $0x108;
	_ =	swait.ge @!p0 [sflag:s8], $0x0  }
0x24: {  	s3 =	sadd.s32 $0x88, s3;
	s6 =	simm.s32 @!p1 $0x1082;
	[sflag:s4] =	ssyncset.s32 $0xFFFFF086  }
0x25: {  	[simem:s6], [sflag:s4] =	dma.local [hbm:s3], $0xF7A  }
0x26: {  	[smem:$0x3F9B] =	sst s1;
	(tag) =	ssettag s2;
	_ =	strace s9  }
0x27: {  	s1 =	sld [smem:$0x3FAB]  }
0x28: {  	s2 =	sld [smem:$0x3FAC]  }
0x29: {  	s4 =	sld [smem:$0x3FAE]  }
0x2a: {  	p0 =	seq.s32 s5, $0x0;
	s5 =	sld [smem:$0x3FAF]  }
0x2b: {  	s6 =	sld [smem:$0x3FB0]  }
0x2c: {  	s7 =	sld [smem:$0x3FB1]  }
0x2d: {  	s3 =	simm.s32 $0x108;
	s8 =	sld [smem:$0x3FB2]  }
0x2e: {  	s3 =	simm.s32 @!p0 $0x1082;
	s9 =	sld [smem:$0x3FB3]  }
0x2f: {  	lr =	sadd.s32 s0, s3;
	s0 =	sld [smem:$0x3FAA]  }
0x30: {  	s3 =	sld [smem:$0x3FAD]  }
0x31: {  	[smem:$0x3FB6] =	sst s10  }
0x32: {  	s10 =	sld [smem:$0x3FB4];
	_ =	sdelay $0x3  }
0x33: {  	p0 =	seq.s32 s10, $0x1;
	s10 =	sld [smem:$0x3FB6];
	_ =	sdelay $0x3  }
0x34: {  	[smem:$0x3FB6] =	sst s10  }
0x35: {  	s10 =	sld [smem:$0x3FB5];
	_ =	sdelay $0x3  }
0x36: {  	p1 =	seq.s32 s10, $0x1;
	s10 =	sld [smem:$0x3FB6];
	_ =	sdelay $0x3  }
0x37: {  	[smem:$0x3FB6] =	sst s10  }
0x38: {  	s10 =	sld [smem:$0x3FB7]  }
0x39: {  	_ = 	snop;
	(pc) =	sbr.ind lr, $3  }
0x3a: {  	_ = 	snop  }
0x3b: {  	_ = 	snop  }
0x3c: {  	p2 =	seq.s32 s10, $0x1;
	s10 =	sld [smem:$0x3FB6]  }
0x3d: {  	_ =	shalt  }
0x3e: {  	_ =	shalt  }
0x3f: {  	_ =	shalt  }
0x40: {  	_ =	shalt  }
0x41: {  	_ =	shalt  }
0x42: {  	_ =	shalt  }
0x43: {  	_ =	shalt  }
0x44: {  	_ =	shalt  }
0x45: {  	_ =	shalt  }
0x46: {  	_ =	shalt  }
0x47: {  	_ =	shalt  }
0x48: {  	_ =	shalt  }
0x49: {  	_ =	shalt  }
0x4a: {  	_ =	shalt  }
0x4b: {  	_ =	shalt  }
0x4c: {  	_ =	shalt  }
0x4d: {  	_ =	shalt  }
0x4e: {  	_ =	shalt  }
0x4f: {  	_ =	shalt  }
0x50: {  	_ =	shalt  }
0x51: {  	_ =	shalt  }
0x52: {  	_ =	shalt  }
0x53: {  	_ =	shalt  }
0x54: {  	_ =	shalt  }
0x55: {  	_ =	shalt  }
0x56: {  	_ =	shalt  }
0x57: {  	_ =	shalt  }
0x58: {  	_ =	shalt  }
0x59: {  	_ =	shalt  }
0x5a: {  	_ =	shalt  }
0x5b: {  	_ =	shalt  }
0x5c: {  	_ =	shalt  }
0x5d: {  	_ =	shalt  }
0x5e: {  	_ =	shalt  }
0x5f: {  	_ =	shalt  }
0x60: {  	_ =	shalt  }
0x61: {  	_ =	shalt  }
0x62: {  	_ =	shalt  }
0x63: {  	_ =	shalt  }
0x64: {  	_ =	shalt  }
0x65: {  	_ =	shalt  }
0x66: {  	_ =	shalt  }
0x67: {  	_ =	shalt  }
0x68: {  	_ =	shalt  }
0x69: {  	_ =	shalt  }
0x6a: {  	_ =	shalt  }
0x6b: {  	_ =	shalt  }
0x6c: {  	_ =	shalt  }
0x6d: {  	_ =	shalt  }
0x6e: {  	_ =	shalt  }
0x6f: {  	_ =	shalt  }
0x70: {  	_ =	shalt  }
0x71: {  	_ =	shalt  }
0x72: {  	_ =	shalt  }
0x73: {  	_ =	shalt  }
0x74: {  	_ =	shalt  }
0x75: {  	_ =	shalt  }
0x76: {  	_ =	shalt  }
0x77: {  	_ =	shalt  }
0x78: {  	_ =	shalt  }
0x79: {  	_ =	shalt  }
0x7a: {  	_ =	shalt  }
0x7b: {  	_ =	shalt  }
0x7c: {  	_ =	shalt  }
0x7d: {  	_ =	shalt  }
0x7e: {  	_ =	shalt  }
0x7f: {  	_ =	shalt  }
0x80: {  	_ =	shalt  }
0x81: {  	_ =	shalt  }
0x82: {  	_ =	shalt  }
0x83: {  	_ =	shalt  }
0x84: {  	_ =	shalt  }
0x85: {  	_ =	shalt  }
0x86: {  	_ =	shalt  }
0x87: {  	_ =	shalt  }
.Lfunc_end0:
.L_simem_size_0:
called_computation.1_lowered:
.L_overlay_start_0:
0x88: {  	s2 =	sld [smem:$0x3FD9]  }
0x89: {  	s3 =	sld [smem:$0x3FFE];
	_ =	sdelay $0x1  }
0x8a: {  	s1 =	srdreg.scid  }
0x8b: {  	s0 =	sand.u32 $0x1, s1  }
0x8c: {  	s17 =	sshll.u32 s0, $0xA;
	s2 =	sadd.s32 s3, s2  }
0x8d: {  	s2 =	sadd.s32 s2, s17  }
0x8e: {  	[smem:$0x3FC2] =	sst s2  }
0x8f: {  	_ = 	snop  }
0x90: {  	s2 =	sld [smem:$0x3FD0];
	(tm) =	ssettm $0x1  }
0x91: {  	s18 =	sld [smem:$0x3FFB];
	_ =	sdelay $0x3  }
0x92: {  	_ =	strace s18  }
0x93: {  	s3 =	sld [smem:$0x3FFC];
	_ =	sdelay $0x3  }
0x94: {  	_ =	strace s3  }
0x95: {  	s3 =	sld [smem:$0x3FFD];
	_ =	sdelay $0x3  }
0x96: {  	_ =	strace s3  }
0x97: {  	_ =	strace $0x8FFFFFFF  }
0x98: {  	s19 =	sld [smem:$0x3FDB];
	_ =	sdelay $0x1  }
0x99: {  	s4 =	simm.s32 $_scs_section_size  }
0x9a: {  	s5 =	simm.s32 $_size__tile_overlayer_lowered;
	s6 =	simm.s32 $_tile_overlayer_lowered  }
0x9b: {  	s22 =	simm.s32 $0x1BFF;
	s21 =	sshll.u32 s6, $0x1;
	s3 =	sadd.s32 s4, s19  }
0x9c: {  	s7 =	simm.s32 $0x0;
	s20 =	sshll.u32 s5, $0x1;
	s5 =	sadd.s32 s21, s3  }
0x9d: {  	[timem:s7], [sflag:s22] =	dma.local [hbm:s5], s20  }
0x9e: {  	_ =	swait.ge [sflag:s22], s20  }
0x9f: {  	s4 =	ssub.s32 $0x0, s20;
	[sflag:s22] =	ssyncset.done $0x0  }
0xa0: {  	[sflag:s22] =	ssyncadd.s32 s4;
	_ =	sdelay $0x1  }
0xa1: {  	s23 =	simm.s32 $0x1B8B  }
0xa2: {  	_ =	swait.ge [sflag:s23], $0x1  }
0xa3: {  	[sflag:s23] =	ssyncset.done $0x0  }
0xa4: {  	s25 =	simm.s32 $0x1B8E;
	s24 =	sld [smem:$0x3FFE];
	[sflag:s23] =	ssyncadd.s32 $0xFFFFFFFF  }
0xa5: {  	s26 =	simm.s32 $execute0_lowered;
	[smem:$0x3FD2] =	sst s25  }
0xa6: {  	s5 =	sshll.u32 s26, $0x1;
	_ =	strace $0x80000049;
	[dreg:$0x1] =	wrdreg $0xFFFFFFFF  }
0xa7: {  	s28 =	simm.s32 $_size_execute0_lowered;
	s3 =	sadd.s32 s3, s5;
	[dreg:$0x0] =	wrdreg $0x0  }
0xa8: {  	s5 =	sshll.u32 s28, $0x1;
	[dreg:$0x2] =	wrdreg s3  }
0xa9: {  	[dreg:$0x3] =	wrdreg s5  }
0xaa: {  	[dreg:$0x4] =	wrdreg $0xC0  }
0xab: {  	_ =	task [dreg:s7], $0x5FFFF  }
0xac: {  	[dreg:$0x1] =	wrdreg $0xFFFFFFFF  }
0xad: {  	[dreg:$0x0] =	wrdreg $0x60  }
0xae: {  	[dreg:$0x2] =	wrdreg s24  }
0xaf: {  	[dreg:$0x3] =	wrdreg s2  }
0xb0: {  	[dreg:$0x4] =	wrdreg $0xA8000  }
0xb1: {  	[dreg:$0x5] =	wrdreg $0x9  }
0xb2: {  	_ =	task.clear_ibuf [dreg:s7], $0x6FFFF;
	_ =	strace $0x90000049  }
0xb3: {  	s29 =	simm.s32 $0x9;
	_ =	strace $0x8000004B  }
0xb4: {  	_ =	swait.ge [sflag:s29], $0x1  }
0xb5: {  	[sflag:s29] =	ssyncadd.s32 $0xFFFFFFFF  }
0xb6: {  	_ =	strace $0x9000004B  }
0xb7: {  	_ =	sfence  }
0xb8: {  	s30 =	sld [smem:$0x0];
	_ =	sdelay $0x2  }
0xb9: {  	s31 =	sshll.u32 s1, $0xD;
	s1 =	sshrl.u32 s1, $0x2  }
0xba: {  	s3 =	sand.u32 $0x4000, s31;
	s1 =	sadd.s32 s1, s30  }
0xbb: {  	s0 =	sor.u32 s3, s0;
	s1 =	sshll.u32 s1, $0x11  }
0xbc: {  	s0 =	sor.u32 s1, s0  }
0xbd: {  	s0 =	sadd.s32 $0x8F2B, s0  }
0xbe: {  	[sflag:s0] =	ssyncadd.remote.s32 $0x1  }
0xbf: {  	_ =	sfence.sel $0xFFFF  }
0xc0: {  	[dreg:$0x0] =	wrdreg $0xFFFFFFFF;
	(pc) =	sbr.abs _section_cstart, $3  }
0xc1: {  	[dreg:$0x1] =	wrdreg $0xFFFFFFFF  }
0xc2: {  	_ =	task.clear_ibuf [dreg:s7], $0x2FFFF;
	_ =	strace $0x9FFFFFFF  }
0xc3: {  	(tm) =	ssettm $0x7FFFFFFF  }
tec
execute0_lowered:
.L_overlay_start_1:
0x0: {  	(tag) =	ssettag $0x1  }
0x1: {  	s6 =	rddreg [dreg:$0x0]  }
0x2: {  	s10 =	rddreg [dreg:$0x1]  }
0x3: {  	s2 =	rddreg [dreg:$0x2]  }
0x4: {  	s0 =	rddreg [dreg:$0x3]  }
0x5: {  	s3 =	simm.s32 $0x0;
	s4 =	srdreg.scid;
	s1 =	stileid.u32  }
0x6: {  	s16 =	simm.s32 $0x80;
	s17 =	simm.s32 $0x2800;
	s18 =	simm.s32 $0x6800  }
0x7: {  	s19 =	simm.s32 $0x1;
	s20 =	simm.s32 $0x2;
	s21 =	simm.s32 $0x2700  }
0x8: {  	s22 =	simm.s32 $0x2780;
	s23 =	simm.s32 $0x0;
	[smem:$0x7FF] =	sst s3  }
0x9: {  	s7 =	sand.u32 $0x1, s4;
	s8 =	smul.u32 $0x14000, s1;
	s4 =	sadd.s32 $0x20800, s6  }
0xa: {  	s11 =	sadd.s32 $0x2200, s6;
	s5 =	sadd.s32 $0xC200, s6;
	s12 =	sshll.u32 s7, $0x4  }
0xb: {  	s30 =	sshll.u32 s1, $0x6;
	s9 =	smul.u32 $0x140000, s7;
	s12 =	sor.u32 s1, s12  }
0xc: {  	_ =	strace $0x8000004A;
	s7 =	ssub.s32 $0x2, s7;
	s12 =	smul.u32 $0x2800, s12  }
0xd: {  	s13 =	sshrl.u32 s7, $0x1;
	s15 =	sadd.s32 s8, s2;
	s9 =	sadd.s32 s8, s9  }
0xe: {  	s13 =	ssub.s32 s7, s13;
	s9 =	sshrl.u32 s9, $0x3;
	s31 =	sshrl.u32 s12, $0x3  }
0xf: {  	s14 =	sadd.s32 s9, s6;
	s6 =	sor.u32 $0x1C03, s30;
	s12 =	sadd.s32 $0x280, s31  }
0x10: {  	s7 =	sadd.s32 s11, s31;
	s8 =	sadd.s32 s10, s31;
	s9 =	sadd.s32 s11, s12  }
0x11: {  	s10 =	sadd.s32 s10, s12;
	s11 =	sadd.s32 $0x48800, s14;
	s12 =	smax.u32 s13, $0x1  }
0x12: {  	s13 =	sshrl.u32 s15, $0x3;
	s14 =	simm.s32 $0x3;
	s15 =	simm.s32 $0x1400  }
.LBB2_1:
0x13: {  	[spmem:s13], [sflag:s6] =	dma.local [hbm:s5], $0x2800  }
0x14: {  	_ =	swait.ge [sflag:s14], $0x2800  }
0x15: {  	[sflag:s14] =	ssyncset.done $0x0  }
0x16: {  	[sflag:s14] =	ssyncadd.s32 $0xFFFFD800  }
0x17: {  	[bflag:$0x0] =	sbarrier.arrive $0xFFFF  }
0x18: {  	[tilespmem:s3], [sflag:$0x3] =	stream.linear.gather [hbm4b:s7+s3], $0x1400, $0x38;
	[tilespmem:$0x1E800] =	vst v63  }
0x19: {  	_ =	swait.ge [sflag:s14], $0x1400  }
0x1a: {  	[sflag:s14] =	ssyncset.done $0x0  }
0x1b: {  	[sflag:s14] =	ssyncadd.s32 $0xFFFFEC00  }
0x1c: {  	[tilespmem:s15], [sflag:$0x3] =	stream.linear.gather [hbm4b:s8+s3], $0x1400, $0x38;
	[tilespmem:$0x1E800] =	vst v63  }
0x1d: {  	_ =	swait.ge [sflag:s14], $0x1400  }
0x1e: {  	[sflag:s14] =	ssyncset.done $0x0  }
0x1f: {  	[sflag:s14] =	ssyncadd.s32 $0xFFFFEC00  }
0x20: {  	[tilespmem:s17], [sflag:$0x1] =	stream.indirect.gather [hbm4b:s4+s16], $0x80, s3, s16, $0xb8;
	[tilespmem:$0x1E800] =	vst v63  }
0x21: {  	_ = 	snop  }
0x22: {  	[tilespmem:s18], [sflag:$0x2] =	stream.indirect.gather [hbm4b:s4+s16], $0x80, s16, s16, $0xb8;
	[tilespmem:$0x1E800] =	vst v63  }
0x23: {  	_ =	swait.ge [sflag:s19], $0x4000  }
0x24: {  	[sflag:s19] =	ssyncset.done $0x0  }
0x25: {  	s24 =	simm.s32 $0x1400;
	[sflag:s19] =	ssyncadd.s32 $0xFFFFC000  }
0x26: {  	[spmem:s2] =	stream.indirect.scatter.add.f32 [tilespmem:s17], [sflag:$0x3], $0x80, s24, s16, $0xb8;
	[tilespmem:$0x1E800] =	vst v63  }
0x27: {  	_ =	swait.ge [sflag:s14], $0x4000  }
0x28: {  	[sflag:s14] =	ssyncset.done $0x0  }
0x29: {  	s30 =	simm.s32 $0x100;
	[sflag:s14] =	ssyncadd.s32 $0xFFFFC000  }
0x2a: {  	[tilespmem:s17], [sflag:$0x1] =	stream.indirect.gather [hbm4b:s4+s16], $0x80, s30, s16, $0xb8;
	[tilespmem:$0x1E800] =	vst v63  }
0x2b: {  	_ =	swait.ge [sflag:s20], $0x4000  }
0x2c: {  	[sflag:s20] =	ssyncset.done $0x0  }
0x2d: {  	s31 =	simm.s32 $0x1480;
	[sflag:s20] =	ssyncadd.s32 $0xFFFFC000  }
0x2e: {  	[spmem:s2] =	stream.indirect.scatter.add.f32 [tilespmem:s18], [sflag:$0x3], $0x80, s31, s16, $0xb8;
	[tilespmem:$0x1E800] =	vst v63  }
0x2f: {  	_ =	swait.ge [sflag:s14], $0x4000  }
0x30: {  	[sflag:s14] =	ssyncset.done $0x0  }
0x31: {  	s25 =	simm.s32 $0x180;
	s24 =	simm.s32 $0x400;
	[sflag:s14] =	ssyncadd.s32 $0xFFFFC000  }
.LBB2_2:
0x32: {  	[tilespmem:s18], [sflag:$0x2] =	stream.indirect.gather [hbm4b:s4+s16], $0x80, s25, s16, $0xb8;
	[tilespmem:$0x1E800] =	vst v63  }
0x33: {  	s25 =	smov.u32 s24  }
0x34: {  	p0 =	sne.s32 s24, $0x4800;
	s24 =	sadd.s32 $0x400, s24;
	_ =	swait.ge [sflag:s19], $0x4000  }
0x35: {  	s25 =	sshra.s32 s25, $0x2;
	[sflag:s19] =	ssyncset.done $0x0  }
0x36: {  	s26 =	sadd.s32 $0x1400, s25;
	[sflag:s19] =	ssyncadd.s32 $0xFFFFC000  }
0x37: {  	[spmem:s2] =	stream.indirect.scatter.add.f32 [tilespmem:s17], [sflag:$0x3], $0x80, s26, s16, $0xb8;
	[tilespmem:$0x1E800] =	vst v63  }
0x38: {  	_ =	swait.ge [sflag:s14], $0x4000  }
0x39: {  	[sflag:s14] =	ssyncset.done $0x0  }
0x3a: {  	s26 =	sadd.s32 $0x100, s25;
	[sflag:s14] =	ssyncadd.s32 $0xFFFFC000  }
0x3b: {  	[tilespmem:s17], [sflag:$0x1] =	stream.indirect.gather [hbm4b:s4+s16], $0x80, s26, s16, $0xb8;
	[tilespmem:$0x1E800] =	vst v63  }
0x3c: {  	_ =	swait.ge [sflag:s20], $0x4000  }
0x3d: {  	[sflag:s20] =	ssyncset.done $0x0  }
.Ltmp0:
0x3e: {  	s26 =	sadd.s32 $0x1480, s25;
	[sflag:s20] =	ssyncadd.s32 $0xFFFFC000;
	(pc) =	sbr.rel @p0 .LBB2_2-.Ltmp0, $4  }
0x3f: {  	[spmem:s2] =	stream.indirect.scatter.add.f32 [tilespmem:s18], [sflag:$0x3], $0x80, s26, s16, $0xb8;
	[tilespmem:$0x1E800] =	vst v63  }
0x40: {  	_ =	swait.ge [sflag:s14], $0x4000  }
0x41: {  	[sflag:s14] =	ssyncset.done $0x0  }
0x42: {  	s25 =	sadd.s32 $0x180, s25;
	[sflag:s14] =	ssyncadd.s32 $0xFFFFC000  }
0x43: {  	[tilespmem:s18], [sflag:$0x2] =	stream.indirect.gather [hbm4b:s4+s16], $0x80, s25, s16, $0xb8;
	[tilespmem:$0x1E800] =	vst v63  }
0x44: {  	_ =	swait.ge [sflag:s19], $0x4000  }
0x45: {  	[sflag:s19] =	ssyncset.done $0x0  }
0x46: {  	[sflag:s19] =	ssyncadd.s32 $0xFFFFC000  }
0x47: {  	[spmem:s2] =	stream.indirect.scatter.add.f32 [tilespmem:s17], [sflag:$0x3], $0x80, s21, s16, $0xb8;
	[tilespmem:$0x1E800] =	vst v63  }
0x48: {  	_ =	swait.ge [sflag:s14], $0x4000  }
0x49: {  	[sflag:s14] =	ssyncset.done $0x0  }
0x4a: {  	[sflag:s14] =	ssyncadd.s32 $0xFFFFC000  }
0x4b: {  	_ =	swait.ge [sflag:s20], $0x4000  }
0x4c: {  	[sflag:s20] =	ssyncset.done $0x0  }
0x4d: {  	[sflag:s20] =	ssyncadd.s32 $0xFFFFC000  }
0x4e: {  	[spmem:s2] =	stream.indirect.scatter.add.f32 [tilespmem:s18], [sflag:$0x3], $0x80, s22, s16, $0xb8;
	[tilespmem:$0x1E800] =	vst v63  }
0x4f: {  	_ =	swait.ge [sflag:s14], $0x4000  }
0x50: {  	[sflag:s14] =	ssyncset.done $0x0  }
0x51: {  	s24 =	simm.s32 $0x0;
	[sflag:s14] =	ssyncadd.s32 $0xFFFFC000  }
0x52: {  	[tilespmem:s24], [sflag:$0x3] =	stream.linear.gather [hbm4b:s9+s24], $0x1400, $0x38;
	[tilespmem:$0x1E800] =	vst v63  }
0x53: {  	_ =	swait.ge [sflag:s14], $0x1400  }
0x54: {  	[sflag:s14] =	ssyncset.done $0x0  }
0x55: {  	[sflag:s14] =	ssyncadd.s32 $0xFFFFEC00  }
0x56: {  	[tilespmem:s15], [sflag:$0x3] =	stream.linear.gather [hbm4b:s10+s24], $0x1400, $0x38;
	[tilespmem:$0x1E800] =	vst v63  }
0x57: {  	_ =	swait.ge [sflag:s14], $0x1400  }
0x58: {  	[sflag:s14] =	ssyncset.done $0x0  }
0x59: {  	[sflag:s14] =	ssyncadd.s32 $0xFFFFEC00  }
0x5a: {  	[tilespmem:s17], [sflag:$0x1] =	stream.indirect.gather [hbm4b:s4+s16], $0x80, s24, s16, $0xb8;
	[tilespmem:$0x1E800] =	vst v63  }
0x5b: {  	_ = 	snop  }
0x5c: {  	[tilespmem:s18], [sflag:$0x2] =	stream.indirect.gather [hbm4b:s4+s16], $0x80, s16, s16, $0xb8;
	[tilespmem:$0x1E800] =	vst v63  }
0x5d: {  	_ =	swait.ge [sflag:s19], $0x4000  }
0x5e: {  	[sflag:s19] =	ssyncset.done $0x0  }
0x5f: {  	s29 =	simm.s32 $0x1400;
	[sflag:s19] =	ssyncadd.s32 $0xFFFFC000  }
0x60: {  	[spmem:s2] =	stream.indirect.scatter.add.f32 [tilespmem:s17], [sflag:$0x3], $0x80, s29, s16, $0xb8;
	[tilespmem:$0x1E800] =	vst v63  }
0x61: {  	_ =	swait.ge [sflag:s14], $0x4000  }
0x62: {  	[sflag:s14] =	ssyncset.done $0x0  }
0x63: {  	s30 =	simm.s32 $0x100;
	[sflag:s14] =	ssyncadd.s32 $0xFFFFC000  }
0x64: {  	[tilespmem:s17], [sflag:$0x1] =	stream.indirect.gather [hbm4b:s4+s16], $0x80, s30, s16, $0xb8;
	[tilespmem:$0x1E800] =	vst v63  }
0x65: {  	_ =	swait.ge [sflag:s20], $0x4000  }
0x66: {  	[sflag:s20] =	ssyncset.done $0x0  }
0x67: {  	s31 =	simm.s32 $0x1480;
	[sflag:s20] =	ssyncadd.s32 $0xFFFFC000  }
0x68: {  	[spmem:s2] =	stream.indirect.scatter.add.f32 [tilespmem:s18], [sflag:$0x3], $0x80, s31, s16, $0xb8;
	[tilespmem:$0x1E800] =	vst v63  }
0x69: {  	_ =	swait.ge [sflag:s14], $0x4000  }
0x6a: {  	[sflag:s14] =	ssyncset.done $0x0  }
0x6b: {  	s25 =	simm.s32 $0x180;
	s24 =	simm.s32 $0x400;
	[sflag:s14] =	ssyncadd.s32 $0xFFFFC000  }
.LBB2_4:
0x6c: {  	[tilespmem:s18], [sflag:$0x2] =	stream.indirect.gather [hbm4b:s4+s16], $0x80, s25, s16, $0xb8;
	[tilespmem:$0x1E800] =	vst v63  }
0x6d: {  	s25 =	smov.u32 s24  }
0x6e: {  	p0 =	sne.s32 s24, $0x4800;
	s24 =	sadd.s32 $0x400, s24;
	_ =	swait.ge [sflag:s19], $0x4000  }
0x6f: {  	s25 =	sshra.s32 s25, $0x2;
	[sflag:s19] =	ssyncset.done $0x0  }
0x70: {  	s26 =	sadd.s32 $0x1400, s25;
	[sflag:s19] =	ssyncadd.s32 $0xFFFFC000  }
0x71: {  	[spmem:s2] =	stream.indirect.scatter.add.f32 [tilespmem:s17], [sflag:$0x3], $0x80, s26, s16, $0xb8;
	[tilespmem:$0x1E800] =	vst v63  }
0x72: {  	_ =	swait.ge [sflag:s14], $0x4000  }
0x73: {  	[sflag:s14] =	ssyncset.done $0x0  }
0x74: {  	s26 =	sadd.s32 $0x100, s25;
	[sflag:s14] =	ssyncadd.s32 $0xFFFFC000  }
0x75: {  	[tilespmem:s17], [sflag:$0x1] =	stream.indirect.gather [hbm4b:s4+s16], $0x80, s26, s16, $0xb8;
	[tilespmem:$0x1E800] =	vst v63  }
0x76: {  	_ =	swait.ge [sflag:s20], $0x4000  }
0x77: {  	[sflag:s20] =	ssyncset.done $0x0  }
.Ltmp1:
0x78: {  	s26 =	sadd.s32 $0x1480, s25;
	[sflag:s20] =	ssyncadd.s32 $0xFFFFC000;
	(pc) =	sbr.rel @p0 .LBB2_4-.Ltmp1, $4  }
0x79: {  	[spmem:s2] =	stream.indirect.scatter.add.f32 [tilespmem:s18], [sflag:$0x3], $0x80, s26, s16, $0xb8;
	[tilespmem:$0x1E800] =	vst v63  }
0x7a: {  	_ =	swait.ge [sflag:s14], $0x4000  }
0x7b: {  	[sflag:s14] =	ssyncset.done $0x0  }
0x7c: {  	s25 =	sadd.s32 $0x180, s25;
	[sflag:s14] =	ssyncadd.s32 $0xFFFFC000  }
0x7d: {  	[tilespmem:s18], [sflag:$0x2] =	stream.indirect.gather [hbm4b:s4+s16], $0x80, s25, s16, $0xb8;
	[tilespmem:$0x1E800] =	vst v63  }
0x7e: {  	_ =	swait.ge [sflag:s19], $0x4000  }
0x7f: {  	[sflag:s19] =	ssyncset.done $0x0  }
0x80: {  	[sflag:s19] =	ssyncadd.s32 $0xFFFFC000  }
0x81: {  	[spmem:s2] =	stream.indirect.scatter.add.f32 [tilespmem:s17], [sflag:$0x3], $0x80, s21, s16, $0xb8;
	[tilespmem:$0x1E800] =	vst v63  }
0x82: {  	_ =	swait.ge [sflag:s14], $0x4000  }
0x83: {  	[sflag:s14] =	ssyncset.done $0x0  }
0x84: {  	[sflag:s14] =	ssyncadd.s32 $0xFFFFC000  }
0x85: {  	_ =	swait.ge [sflag:s20], $0x4000  }
0x86: {  	[sflag:s20] =	ssyncset.done $0x0  }
0x87: {  	[sflag:s20] =	ssyncadd.s32 $0xFFFFC000  }
0x88: {  	[spmem:s2] =	stream.indirect.scatter.add.f32 [tilespmem:s18], [sflag:$0x3], $0x80, s22, s16, $0xb8;
	[tilespmem:$0x1E800] =	vst v63  }
0x89: {  	_ =	swait.ge [sflag:s14], $0x4000  }
0x8a: {  	s23 =	sadd.s32 $0x1, s23;
	[sflag:s14] =	ssyncset.done $0x0  }
0x8b: {  	p0 =	sne.s32 s23, s12;
	[sflag:s14] =	ssyncadd.s32 $0xFFFFC000  }
.Ltmp2:
0x8c: {  	[bflag:$0x0] =	sbarrier.arrive $0xFFFF;
	(pc) =	sbr.rel @p0 .LBB2_1-.Ltmp2, $4  }
0x8d: {  	[hbm:s11], [sflag:s6] =	dma.local [spmem:s13], $0x2800  }
0x8e: {  	_ =	swait.ge [sflag:s14], $0x2800  }
0x8f: {  	[sflag:s14] =	ssyncset.done $0x0  }
0x90: {  	[sflag:s14] =	ssyncadd.s32 $0xFFFFD800  }
0x91: {  	_ =	sfence.sel $0x180000  }
0x92: {  	[bflag:$0x0] =	sbarrier.arrive $0xFFFF  }
0x93: {  	p0 =	sne.s32 s1, $0x0;
	_ =	strace $0x9000004A  }
0x94: {  	s0 =	sadd.s32 @!p0 $0x100000, s0;
	[bflag:$0x2] =	sbarrier.arrive $0xFFFF  }
0x95: {  	[sflag:s0] =	ssyncadd.tile.s32 @!p0 $0x1;
	_ =	shalt  }
.Lfunc_end2:
_tile_overlayer_lowered:
.L_overlay_start_2:
0x96: {  	(tag) =	ssettag $0x2  }
0x97: {  	s0 =	rddreg [dreg:$0x0];
	s2 =	stileid.u32  }
0x98: {  	s1 =	rddreg [dreg:$0x1];
	p0 =	sne.s32 s2, $0x0  }
0x99: {  	s3 =	rddreg [dreg:$0x2];
	[bflag:$0x3] =	sbarrier.arrive $0xFFFF;
	s2 =	simm.s32 @!p0 $0x1C03  }
0x9a: {  	[timem:s3], [sflag:s2] =	dma.local @!p0 [hbm:s0], s1  }
0x9b: {  	s0 =	simm.s32 @!p0 $0x3  }
0x9c: {  	_ =	swait.ge @!p0 [sflag:s0], s1  }
0x9d: {  	s1 =	ssub.s32 @!p0 $0x0, s1;
	[sflag:s0] =	ssyncset.done @!p0 $0x0  }
0x9e: {  	[sflag:s0] =	ssyncadd.s32 @!p0 s1  }
0x9f: {  	[bflag:$0x3] =	sbarrier.arrive $0xFFFF  }
0xa0: {  	_ =	shalt  }

// kernel: kernel.14.cloned.1.call-start
scs
__scs_entry_jumppad:
0x0: {  	(pc) =	sbr.rel $0x88, $3  }
0x1: {  	(tag) =	ssettag $0x0;
	lr =	simm.s32 $0x1  }
0x2: {  	[smem:$0x3F9B] =	sst lr;
	_ =	strace $0xD0000000  }
0x3: {  	_ = 	snop  }
0x4: {  	_ = 	snop  }
0x5: {  	_ = 	snop  }
0x6: {  	_ = 	snop  }
0x7: {  	_ = 	snop  }
__scs_overlays_trampoline_lowered:
0x8: {  	[smem:$0x3FAA] =	sst s0  }
0x9: {  	[smem:$0x3FAB] =	sst s1  }
0xa: {  	[smem:$0x3FAC] =	sst s2  }
0xb: {  	[smem:$0x3FAD] =	sst s3  }
0xc: {  	[smem:$0x3FAE] =	sst s4  }
0xd: {  	[smem:$0x3FAF] =	sst s5  }
0xe: {  	[smem:$0x3FB0] =	sst s6  }
0xf: {  	[smem:$0x3FB1] =	sst s7  }
0x10: {  	[smem:$0x3FB2] =	sst s8  }
0x11: {  	[smem:$0x3FB3] =	sst s9;
	s0 =	simm.s32 @!p0 $0x0  }
0x12: {  	s1 =	sld [smem:$0x3F99];
	s0 =	simm.s32 @p0 $0x1  }
0x13: {  	[smem:$0x3FB4] =	sst s0;
	s0 =	simm.s32 @!p1 $0x0  }
0x14: {  	s2 =	sld [smem:$0x3F98];
	s0 =	simm.s32 @p1 $0x1  }
0x15: {  	[smem:$0x3FB5] =	sst s0;
	s0 =	simm.s32 @!p2 $0x0  }
0x16: {  	s3 =	sld [smem:$0x3FDB];
	s0 =	simm.s32 @p2 $0x1  }
0x17: {  	s4 =	simm.s32 $0x1BF5;
	[smem:$0x3FB7] =	sst s0  }
0x18: {  	s0 =	sld [smem:$0x3F9A];
	_ =	swait.ge [sflag:s4], $0x0  }
0x19: {  	s7 =	sld [smem:$0x3F9B]  }
0x1a: {  	s8 =	sadd.s32 $0xFFFFE003, lr  }
0x1b: {  	s9 =	sadd.s32 $0xFFFFFEF7, lr;
	s5 =	simm.s32 $0xFFFFFFFF;
	p2 =	slt.u32 s8, $0xFFFFF086  }
0x1c: {  	p1 =	slt.u32 s9, $0xF7A;
	s5 =	simm.s32 @!p2 $0x0  }
0x1d: {  	s5 =	simm.s32 @p1 $0x1;
	p0 =	seq.s32 s7, s2  }
0x1e: {  	s7 =	smul.u32 @!p0 $0xF7A, s2;
	p2 =	seq.s32 @!p0 s5, $0x0  }
0x1f: {  	s9 =	smul.u32 $0xF7A, s1;
	s8 =	simm.s32 @!p0 $0x1BF5;
	p2 =	por !p2, p0  }
0x20: {  	[sflag:s8] =	ssyncset.s32 @!p0 $0xFFFFF086;
	s6 =	sadd.s32 @!p0 s3, s7;
	s7 =	simm.s32 @!p0 $0x108  }
0x21: {  	s3 =	sadd.s32 s3, s9;
	s6 =	sadd.s32 @!p0 $0x88, s6;
	s7 =	simm.s32 @p2 $0x1082  }
0x22: {  	[simem:s7], [sflag:s8] =	dma.local @!p0 [hbm:s6], $0xF7A  }
0x23: {  	s9 =	sor.u32 $0xD0000000, s2;
	s6 =	simm.s32 $0x108;
	_ =	swait.ge @!p0 [sflag:s8], $0x0  }
0x24: {  	s3 =	sadd.s32 $0x88, s3;
	s6 =	simm.s32 @!p1 $0x1082;
	[sflag:s4] =	ssyncset.s32 $0xFFFFF086  }
0x25: {  	[simem:s6], [sflag:s4] =	dma.local [hbm:s3], $0xF7A  }
0x26: {  	[smem:$0x3F9B] =	sst s1;
	(tag) =	ssettag s2;
	_ =	strace s9  }
0x27: {  	s1 =	sld [smem:$0x3FAB]  }
0x28: {  	s2 =	sld [smem:$0x3FAC]  }
0x29: {  	s4 =	sld [smem:$0x3FAE]  }
0x2a: {  	p0 =	seq.s32 s5, $0x0;
	s5 =	sld [smem:$0x3FAF]  }
0x2b: {  	s6 =	sld [smem:$0x3FB0]  }
0x2c: {  	s7 =	sld [smem:$0x3FB1]  }
0x2d: {  	s3 =	simm.s32 $0x108;
	s8 =	sld [smem:$0x3FB2]  }
0x2e: {  	s3 =	simm.s32 @!p0 $0x1082;
	s9 =	sld [smem:$0x3FB3]  }
0x2f: {  	lr =	sadd.s32 s0, s3;
	s0 =	sld [smem:$0x3FAA]  }
0x30: {  	s3 =	sld [smem:$0x3FAD]  }
0x31: {  	[smem:$0x3FB6] =	sst s10  }
0x32: {  	s10 =	sld [smem:$0x3FB4];
	_ =	sdelay $0x3  }
0x33: {  	p0 =	seq.s32 s10, $0x1;
	s10 =	sld [smem:$0x3FB6];
	_ =	sdelay $0x3  }
0x34: {  	[smem:$0x3FB6] =	sst s10  }
0x35: {  	s10 =	sld [smem:$0x3FB5];
	_ =	sdelay $0x3  }
0x36: {  	p1 =	seq.s32 s10, $0x1;
	s10 =	sld [smem:$0x3FB6];
	_ =	sdelay $0x3  }
0x37: {  	[smem:$0x3FB6] =	sst s10  }
0x38: {  	s10 =	sld [smem:$0x3FB7]  }
0x39: {  	_ = 	snop;
	(pc) =	sbr.ind lr, $3  }
0x3a: {  	_ = 	snop  }
0x3b: {  	_ = 	snop  }
0x3c: {  	p2 =	seq.s32 s10, $0x1;
	s10 =	sld [smem:$0x3FB6]  }
0x3d: {  	_ =	shalt  }
0x3e: {  	_ =	shalt  }
0x3f: {  	_ =	shalt  }
0x40: {  	_ =	shalt  }
0x41: {  	_ =	shalt  }
0x42: {  	_ =	shalt  }
0x43: {  	_ =	shalt  }
0x44: {  	_ =	shalt  }
0x45: {  	_ =	shalt  }
0x46: {  	_ =	shalt  }
0x47: {  	_ =	shalt  }
0x48: {  	_ =	shalt  }
0x49: {  	_ =	shalt  }
0x4a: {  	_ =	shalt  }
0x4b: {  	_ =	shalt  }
0x4c: {  	_ =	shalt  }
0x4d: {  	_ =	shalt  }
0x4e: {  	_ =	shalt  }
0x4f: {  	_ =	shalt  }
0x50: {  	_ =	shalt  }
0x51: {  	_ =	shalt  }
0x52: {  	_ =	shalt  }
0x53: {  	_ =	shalt  }
0x54: {  	_ =	shalt  }
0x55: {  	_ =	shalt  }
0x56: {  	_ =	shalt  }
0x57: {  	_ =	shalt  }
0x58: {  	_ =	shalt  }
0x59: {  	_ =	shalt  }
0x5a: {  	_ =	shalt  }
0x5b: {  	_ =	shalt  }
0x5c: {  	_ =	shalt  }
0x5d: {  	_ =	shalt  }
0x5e: {  	_ =	shalt  }
0x5f: {  	_ =	shalt  }
0x60: {  	_ =	shalt  }
0x61: {  	_ =	shalt  }
0x62: {  	_ =	shalt  }
0x63: {  	_ =	shalt  }
0x64: {  	_ =	shalt  }
0x65: {  	_ =	shalt  }
0x66: {  	_ =	shalt  }
0x67: {  	_ =	shalt  }
0x68: {  	_ =	shalt  }
0x69: {  	_ =	shalt  }
0x6a: {  	_ =	shalt  }
0x6b: {  	_ =	shalt  }
0x6c: {  	_ =	shalt  }
0x6d: {  	_ =	shalt  }
0x6e: {  	_ =	shalt  }
0x6f: {  	_ =	shalt  }
0x70: {  	_ =	shalt  }
0x71: {  	_ =	shalt  }
0x72: {  	_ =	shalt  }
0x73: {  	_ =	shalt  }
0x74: {  	_ =	shalt  }
0x75: {  	_ =	shalt  }
0x76: {  	_ =	shalt  }
0x77: {  	_ =	shalt  }
0x78: {  	_ =	shalt  }
0x79: {  	_ =	shalt  }
0x7a: {  	_ =	shalt  }
0x7b: {  	_ =	shalt  }
0x7c: {  	_ =	shalt  }
0x7d: {  	_ =	shalt  }
0x7e: {  	_ =	shalt  }
0x7f: {  	_ =	shalt  }
0x80: {  	_ =	shalt  }
0x81: {  	_ =	shalt  }
0x82: {  	_ =	shalt  }
0x83: {  	_ =	shalt  }
0x84: {  	_ =	shalt  }
0x85: {  	_ =	shalt  }
0x86: {  	_ =	shalt  }
0x87: {  	_ =	shalt  }
.Lfunc_end0:
.L_simem_size_0:
called_computation.2_lowered:
.L_overlay_start_0:
0x88: {  	s2 =	sld [smem:$0x3FD9]  }
0x89: {  	s3 =	sld [smem:$0x3FFE];
	_ =	sdelay $0x1  }
0x8a: {  	s1 =	srdreg.scid  }
0x8b: {  	s0 =	sand.u32 $0x1, s1  }
0x8c: {  	s17 =	sshll.u32 s0, $0xA;
	s2 =	sadd.s32 s3, s2  }
0x8d: {  	s2 =	sadd.s32 s2, s17  }
0x8e: {  	[smem:$0x3FC2] =	sst s2  }
0x8f: {  	_ = 	snop  }
0x90: {  	s2 =	sld [smem:$0x3FD0];
	(tm) =	ssettm $0x1  }
0x91: {  	s18 =	sld [smem:$0x3FFB];
	_ =	sdelay $0x3  }
0x92: {  	_ =	strace s18  }
0x93: {  	s3 =	sld [smem:$0x3FFC];
	_ =	sdelay $0x3  }
0x94: {  	_ =	strace s3  }
0x95: {  	s3 =	sld [smem:$0x3FFD];
	_ =	sdelay $0x3  }
0x96: {  	_ =	strace s3  }
0x97: {  	_ =	strace $0x8FFFFFFF  }
0x98: {  	s19 =	sld [smem:$0x3FDB];
	_ =	sdelay $0x1  }
0x99: {  	s4 =	simm.s32 $_scs_section_size  }
0x9a: {  	s5 =	simm.s32 $_size__tile_overlayer_lowered;
	s6 =	simm.s32 $_tile_overlayer_lowered  }
0x9b: {  	s22 =	simm.s32 $0x1BFF;
	s21 =	sshll.u32 s6, $0x1;
	s3 =	sadd.s32 s4, s19  }
0x9c: {  	s7 =	simm.s32 $0x0;
	s20 =	sshll.u32 s5, $0x1;
	s5 =	sadd.s32 s21, s3  }
0x9d: {  	[timem:s7], [sflag:s22] =	dma.local [hbm:s5], s20  }
0x9e: {  	_ =	swait.ge [sflag:s22], s20  }
0x9f: {  	s4 =	ssub.s32 $0x0, s20;
	[sflag:s22] =	ssyncset.done $0x0  }
0xa0: {  	[sflag:s22] =	ssyncadd.s32 s4;
	_ =	sdelay $0x1  }
0xa1: {  	s23 =	simm.s32 $0x1B8B  }
0xa2: {  	_ =	swait.ge [sflag:s23], $0x1  }
0xa3: {  	[sflag:s23] =	ssyncset.done $0x0  }
0xa4: {  	s25 =	simm.s32 $0x1B8E;
	s24 =	sld [smem:$0x3FFE];
	[sflag:s23] =	ssyncadd.s32 $0xFFFFFFFF  }
0xa5: {  	s26 =	simm.s32 $execute0_lowered;
	[smem:$0x3FD2] =	sst s25  }
0xa6: {  	s5 =	sshll.u32 s26, $0x1;
	_ =	strace $0x8000004C;
	[dreg:$0x1] =	wrdreg $0xFFFFFFFF  }
0xa7: {  	s28 =	simm.s32 $_size_execute0_lowered;
	s3 =	sadd.s32 s3, s5;
	[dreg:$0x0] =	wrdreg $0x0  }
0xa8: {  	s5 =	sshll.u32 s28, $0x1;
	[dreg:$0x2] =	wrdreg s3  }
0xa9: {  	[dreg:$0x3] =	wrdreg s5  }
0xaa: {  	[dreg:$0x4] =	wrdreg $0xC0  }
0xab: {  	_ =	task [dreg:s7], $0x5FFFF  }
0xac: {  	[dreg:$0x1] =	wrdreg $0xFFFFFFFF  }
0xad: {  	[dreg:$0x0] =	wrdreg $0x60  }
0xae: {  	[dreg:$0x2] =	wrdreg s24  }
0xaf: {  	[dreg:$0x3] =	wrdreg s2  }
0xb0: {  	[dreg:$0x4] =	wrdreg $0xD0000  }
0xb1: {  	[dreg:$0x5] =	wrdreg $0x9  }
0xb2: {  	_ =	task.clear_ibuf [dreg:s7], $0x6FFFF;
	_ =	strace $0x9000004C  }
0xb3: {  	s29 =	simm.s32 $0x9;
	_ =	strace $0x8000004E  }
0xb4: {  	_ =	swait.ge [sflag:s29], $0x1  }
0xb5: {  	[sflag:s29] =	ssyncadd.s32 $0xFFFFFFFF  }
0xb6: {  	_ =	strace $0x9000004E  }
0xb7: {  	_ =	sfence  }
0xb8: {  	s30 =	sld [smem:$0x0];
	_ =	sdelay $0x2  }
0xb9: {  	s31 =	sshll.u32 s1, $0xD;
	s1 =	sshrl.u32 s1, $0x2  }
0xba: {  	s3 =	sand.u32 $0x4000, s31;
	s1 =	sadd.s32 s1, s30  }
0xbb: {  	s0 =	sor.u32 s3, s0;
	s1 =	sshll.u32 s1, $0x11  }
0xbc: {  	s0 =	sor.u32 s1, s0  }
0xbd: {  	s0 =	sadd.s32 $0x8F2B, s0  }
0xbe: {  	[sflag:s0] =	ssyncadd.remote.s32 $0x1  }
0xbf: {  	_ =	sfence.sel $0xFFFF  }
0xc0: {  	[dreg:$0x0] =	wrdreg $0xFFFFFFFF;
	(pc) =	sbr.abs _section_cstart, $3  }
0xc1: {  	[dreg:$0x1] =	wrdreg $0xFFFFFFFF  }
0xc2: {  	_ =	task.clear_ibuf [dreg:s7], $0x2FFFF;
	_ =	strace $0x9FFFFFFF  }
0xc3: {  	(tm) =	ssettm $0x7FFFFFFF  }
tec
execute0_lowered:
.L_overlay_start_1:
0x0: {  	(tag) =	ssettag $0x1  }
0x1: {  	s0 =	srdreg.scid;
	s1 =	rddreg [dreg:$0x0]  }
0x2: {  	s12 =	stileid.u32;
	s8 =	rddreg [dreg:$0x1]  }
0x3: {  	s13 =	simm.s32 $0x2800;
	s14 =	simm.s32 $0x80;
	s15 =	simm.s32 $0x5000  }
0x4: {  	s16 =	simm.s32 $0x7000;
	s17 =	simm.s32 $0x1;
	s19 =	simm.s32 $0x9000  }
0x5: {  	s20 =	simm.s32 $0x2;
	s23 =	simm.s32 $0xB000;
	s24 =	simm.s32 $0x3  }
0x6: {  	s26 =	simm.s32 $0x5;
	s29 =	simm.s32 $0x4;
	s31 =	simm.s32 $0x6  }
0x7: {  	s18 =	simm.s32 $0x8;
	s21 =	simm.s32 $0x0;
	s0 =	sand.u32 $0x1, s0  }
0x8: {  	s6 =	smul.u32 $0xA000, s12;
	s4 =	sadd.s32 $0xC200, s1;
	s28 =	sshll.u32 s12, $0x6  }
0x9: {  	s2 =	sshll.u32 s0, $0x4;
	s5 =	smul.u32 $0xA0000, s0;
	s0 =	ssub.s32 $0x2, s0  }
0xa: {  	s3 =	sor.u32 s12, s2;
	s2 =	rddreg [dreg:$0x2];
	s11 =	sshrl.u32 s0, $0x1  }
0xb: {  	s12 =	simm.s32 $0x9;
	s9 =	smul.u32 $0x500, s3;
	s3 =	simm.s32 $0x0  }
0xc: {  	s10 =	sadd.s32 s6, s5;
	s5 =	sadd.s32 $0x20200, s1;
	s0 =	ssub.s32 s0, s11  }
.Ltmp0:
0xd: {  	s30 =	sadd.s32 s6, s2;
	s6 =	sor.u32 $0x1C09, s28;
	(pc) =	sbr.rel .LBB2_1-.Ltmp0, $4  }
0xe: {  	[smem:$0x7FF] =	sst s3;
	s10 =	sshrl.u32 s10, $0x3;
	s11 =	sshrl.u32 s30, $0x3  }
0xf: {  	_ =	strace $0x8000004D;
	s7 =	sadd.s32 s9, s1;
	s1 =	sadd.s32 s10, s1  }
0x10: {  	s8 =	sadd.s32 s8, s9;
	s10 =	smax.u32 s0, $0x1;
	s0 =	simm.s32 $0x7  }
0x11: {  	s7 =	sadd.s32 $0x2200, s7;
	s9 =	sadd.s32 $0x21600, s1;
	s1 =	simm.s32 $0x280  }
.LBB2_4:
0x12: {  	_ =	swait.ge [sflag:s29], $0x2000  }
0x13: {  	[sflag:s29] =	ssyncset.done $0x0  }
0x14: {  	[sflag:s29] =	ssyncadd.s32 $0xFFFFE000  }
0x15: {  	[spmem:s2] =	stream.indirect.scatter.add.f32 [tilespmem:s23], [sflag:$0x8], $0x40, s28, s14, $0xb8;
	[tilespmem:$0x17000] =	vst v63  }
0x16: {  	_ =	swait.ge [sflag:s31], $0x2000  }
0x17: {  	[sflag:s31] =	ssyncset.done $0x0  }
0x18: {  	[sflag:s31] =	ssyncadd.s32 $0xFFFFE000  }
0x19: {  	_ =	swait.ge [sflag:s0], $0x2000  }
0x1a: {  	[sflag:s0] =	ssyncset.done $0x0  }
0x1b: {  	[sflag:s0] =	ssyncadd.s32 $0xFFFFE000  }
0x1c: {  	_ =	swait.ge [sflag:s18], $0x2000  }
0x1d: {  	s21 =	sadd.s32 $0x1, s21;
	[sflag:s18] =	ssyncset.done $0x0  }
0x1e: {  	p0 =	sne.s32 s21, s10;
	[sflag:s18] =	ssyncadd.s32 $0xFFFFE000  }
.Ltmp1:
0x1f: {  	[bflag:$0x0] =	sbarrier.arrive $0xFFFF;
	(pc) =	sbr.rel @!p0 .LBB2_5-.Ltmp1, $4  }
0x20: {  	[hbm:s9], [sflag:s6] =	dma.local [spmem:s11], $0x1400  }
0x21: {  	_ =	swait.ge [sflag:s12], $0x1400  }
0x22: {  	[sflag:s12] =	ssyncset.done $0x0  }
0x23: {  	[sflag:s12] =	ssyncadd.s32 $0xFFFFEC00  }
.LBB2_1:
0x24: {  	[spmem:s11], [sflag:s6] =	dma.local [hbm:s5], $0x1400  }
0x25: {  	_ =	swait.ge [sflag:s12], $0x1400  }
0x26: {  	[sflag:s12] =	ssyncset.done $0x0  }
0x27: {  	[sflag:s12] =	ssyncadd.s32 $0xFFFFEC00  }
0x28: {  	[bflag:$0x0] =	sbarrier.arrive $0xFFFF  }
0x29: {  	[tilespmem:s3], [sflag:$0x9] =	stream.linear.gather [hbm4b:s7+s3], $0x2800, $0x38;
	[tilespmem:$0x17000] =	vst v63  }
0x2a: {  	_ =	swait.ge [sflag:s12], $0x2800  }
0x2b: {  	[sflag:s12] =	ssyncset.done $0x0  }
0x2c: {  	[sflag:s12] =	ssyncadd.s32 $0xFFFFD800  }
0x2d: {  	[tilespmem:s13], [sflag:$0x9] =	stream.linear.gather [hbm4b:s8+s3], $0x2800, $0x38;
	[tilespmem:$0x17000] =	vst v63  }
0x2e: {  	_ =	swait.ge [sflag:s12], $0x2800  }
0x2f: {  	[sflag:s12] =	ssyncset.done $0x0  }
0x30: {  	[sflag:s12] =	ssyncadd.s32 $0xFFFFD800  }
0x31: {  	[tilespmem:s15], [sflag:$0x1] =	stream.indirect.gather [hbm4b:s4+s14], $0x40, s3, s14, $0xb8;
	[tilespmem:$0x17000] =	vst v63  }
0x32: {  	_ = 	snop  }
0x33: {  	[tilespmem:s16], [sflag:$0x2] =	stream.indirect.gather [hbm4b:s4+s14], $0x40, s14, s14, $0xb8;
	[tilespmem:$0x17000] =	vst v63  }
0x34: {  	_ =	swait.ge [sflag:s17], $0x2000  }
0x35: {  	[sflag:s17] =	ssyncset.done $0x0  }
0x36: {  	[sflag:s17] =	ssyncadd.s32 $0xFFFFE000  }
0x37: {  	[spmem:s2] =	stream.indirect.scatter.add.f32 [tilespmem:s15], [sflag:$0x5], $0x40, s13, s14, $0xb8;
	[tilespmem:$0x17000] =	vst v63  }
0x38: {  	s22 =	simm.s32 $0x100  }
0x39: {  	[tilespmem:s19], [sflag:$0x3] =	stream.indirect.gather [hbm4b:s4+s14], $0x40, s22, s14, $0xb8;
	[tilespmem:$0x17000] =	vst v63  }
0x3a: {  	_ =	swait.ge [sflag:s20], $0x2000  }
0x3b: {  	[sflag:s20] =	ssyncset.done $0x0  }
0x3c: {  	s28 =	simm.s32 $0x2880;
	[sflag:s20] =	ssyncadd.s32 $0xFFFFE000  }
0x3d: {  	[spmem:s2] =	stream.indirect.scatter.add.f32 [tilespmem:s16], [sflag:$0x6], $0x40, s28, s14, $0xb8;
	[tilespmem:$0x17000] =	vst v63  }
0x3e: {  	s30 =	simm.s32 $0x180  }
0x3f: {  	[tilespmem:s23], [sflag:$0x4] =	stream.indirect.gather [hbm4b:s4+s14], $0x40, s30, s14, $0xb8;
	[tilespmem:$0x17000] =	vst v63  }
0x40: {  	_ =	swait.ge [sflag:s24], $0x2000  }
0x41: {  	[sflag:s24] =	ssyncset.done $0x0  }
0x42: {  	s25 =	simm.s32 $0x2900;
	[sflag:s24] =	ssyncadd.s32 $0xFFFFE000  }
0x43: {  	[spmem:s2] =	stream.indirect.scatter.add.f32 [tilespmem:s19], [sflag:$0x7], $0x40, s25, s14, $0xb8;
	[tilespmem:$0x17000] =	vst v63  }
0x44: {  	_ =	swait.ge [sflag:s26], $0x2000  }
0x45: {  	[sflag:s26] =	ssyncset.done $0x0  }
0x46: {  	s28 =	simm.s32 $0x200;
	[sflag:s26] =	ssyncadd.s32 $0xFFFFE000  }
0x47: {  	[tilespmem:s15], [sflag:$0x1] =	stream.indirect.gather [hbm4b:s4+s14], $0x40, s28, s14, $0xb8;
	[tilespmem:$0x17000] =	vst v63  }
0x48: {  	_ =	swait.ge [sflag:s29], $0x2000  }
0x49: {  	[sflag:s29] =	ssyncset.done $0x0  }
0x4a: {  	s30 =	simm.s32 $0x2980;
	[sflag:s29] =	ssyncadd.s32 $0xFFFFE000  }
0x4b: {  	[spmem:s2] =	stream.indirect.scatter.add.f32 [tilespmem:s23], [sflag:$0x8], $0x40, s30, s14, $0xb8;
	[tilespmem:$0x17000] =	vst v63  }
0x4c: {  	_ =	swait.ge [sflag:s31], $0x2000  }
0x4d: {  	[sflag:s31] =	ssyncset.done $0x0  }
0x4e: {  	s22 =	simm.s32 $0x0;
	[sflag:s31] =	ssyncadd.s32 $0xFFFFE000  }
0x4f: {  	[tilespmem:s16], [sflag:$0x2] =	stream.indirect.gather [hbm4b:s4+s14], $0x40, s1, s14, $0xb8;
	[tilespmem:$0x17000] =	vst v63  }
.LBB2_2:
0x50: {  	_ =	swait.ge [sflag:s17], $0x2000  }
0x51: {  	s25 =	sshra.s32 s22, $0x2;
	[sflag:s17] =	ssyncset.done $0x0  }
0x52: {  	s28 =	sadd.s32 $0x2A00, s25;
	[sflag:s17] =	ssyncadd.s32 $0xFFFFE000  }
0x53: {  	[spmem:s2] =	stream.indirect.scatter.add.f32 [tilespmem:s15], [sflag:$0x5], $0x40, s28, s14, $0xb8;
	[tilespmem:$0x17000] =	vst v63  }
0x54: {  	_ =	swait.ge [sflag:s0], $0x2000  }
0x55: {  	[sflag:s0] =	ssyncset.done $0x0  }
0x56: {  	s28 =	sadd.s32 $0x300, s25;
	[sflag:s0] =	ssyncadd.s32 $0xFFFFE000  }
0x57: {  	[tilespmem:s19], [sflag:$0x3] =	stream.indirect.gather [hbm4b:s4+s14], $0x40, s28, s14, $0xb8;
	[tilespmem:$0x17000] =	vst v63  }
0x58: {  	_ =	swait.ge [sflag:s20], $0x2000  }
0x59: {  	[sflag:s20] =	ssyncset.done $0x0  }
0x5a: {  	s28 =	sadd.s32 $0x2A80, s25;
	[sflag:s20] =	ssyncadd.s32 $0xFFFFE000  }
0x5b: {  	[spmem:s2] =	stream.indirect.scatter.add.f32 [tilespmem:s16], [sflag:$0x6], $0x40, s28, s14, $0xb8;
	[tilespmem:$0x17000] =	vst v63  }
0x5c: {  	_ =	swait.ge [sflag:s18], $0x2000  }
0x5d: {  	[sflag:s18] =	ssyncset.done $0x0  }
0x5e: {  	s28 =	sadd.s32 $0x380, s25;
	[sflag:s18] =	ssyncadd.s32 $0xFFFFE000  }
0x5f: {  	[tilespmem:s23], [sflag:$0x4] =	stream.indirect.gather [hbm4b:s4+s14], $0x40, s28, s14, $0xb8;
	[tilespmem:$0x17000] =	vst v63  }
0x60: {  	_ =	swait.ge [sflag:s24], $0x2000  }
0x61: {  	p0 =	seq.s32 s22, $0x9000;
	[sflag:s24] =	ssyncset.done $0x0  }
.Ltmp2:
0x62: {  	s28 =	sadd.s32 $0x2B00, s25;
	[sflag:s24] =	ssyncadd.s32 $0xFFFFE000;
	(pc) =	sbr.rel @p0 .LBB2_4-.Ltmp2, $4  }
0x63: {  	[spmem:s2] =	stream.indirect.scatter.add.f32 [tilespmem:s19], [sflag:$0x7], $0x40, s28, s14, $0xb8;
	[tilespmem:$0x17000] =	vst v63  }
0x64: {  	_ =	swait.ge [sflag:s26], $0x2000  }
0x65: {  	[sflag:s26] =	ssyncset.done $0x0  }
0x66: {  	s28 =	sadd.s32 $0x2B80, s25;
	[sflag:s26] =	ssyncadd.s32 $0xFFFFE000  }
0x67: {  	s30 =	sadd.s32 $0x400, s25  }
0x68: {  	[tilespmem:s15], [sflag:$0x1] =	stream.indirect.gather [hbm4b:s4+s14], $0x40, s30, s14, $0xb8;
	[tilespmem:$0x17000] =	vst v63  }
0x69: {  	_ =	swait.ge [sflag:s29], $0x2000  }
0x6a: {  	[sflag:s29] =	ssyncset.done $0x0  }
0x6b: {  	[sflag:s29] =	ssyncadd.s32 $0xFFFFE000  }
0x6c: {  	[spmem:s2] =	stream.indirect.scatter.add.f32 [tilespmem:s23], [sflag:$0x8], $0x40, s28, s14, $0xb8;
	[tilespmem:$0x17000] =	vst v63  }
.Ltmp3:
0x6d: {  	_ = 	snop;
	(pc) =	sbr.rel .LBB2_2-.Ltmp3, $4  }
0x6e: {  	_ =	swait.ge [sflag:s31], $0x2000  }
0x6f: {  	[sflag:s31] =	ssyncset.done $0x0  }
0x70: {  	s22 =	sadd.s32 $0x800, s22;
	s30 =	sadd.s32 $0x480, s25;
	[sflag:s31] =	ssyncadd.s32 $0xFFFFE000  }
0x71: {  	[tilespmem:s16], [sflag:$0x2] =	stream.indirect.gather [hbm4b:s4+s14], $0x40, s30, s14, $0xb8;
	[tilespmem:$0x17000] =	vst v63  }
.LBB2_5:
0x72: {  	_ =	sfence.sel $0x180000  }
0x73: {  	[bflag:$0x0] =	sbarrier.arrive $0xFFFF  }
0x74: {  	_ =	strace $0x9000004D  }
0x75: {  	s0 =	stileid.u32;
	[bflag:$0x2] =	sbarrier.arrive $0xFFFF  }
0x76: {  	p0 =	sne.s32 s0, $0x0;
	s0 =	rddreg [dreg:$0x3]  }
0x77: {  	s0 =	sadd.s32 @!p0 $0x100000, s0  }
0x78: {  	[sflag:s0] =	ssyncadd.tile.s32 @!p0 $0x1;
	_ =	shalt  }
.Lfunc_end2:
_tile_overlayer_lowered:
.L_overlay_start_2:
0x79: {  	(tag) =	ssettag $0x2  }
0x7a: {  	s0 =	rddreg [dreg:$0x0];
	s2 =	stileid.u32  }
0x7b: {  	s1 =	rddreg [dreg:$0x1];
	p0 =	sne.s32 s2, $0x0  }
0x7c: {  	s3 =	rddreg [dreg:$0x2];
	[bflag:$0x3] =	sbarrier.arrive $0xFFFF;
	s2 =	simm.s32 @!p0 $0x1C09  }
0x7d: {  	[timem:s3], [sflag:s2] =	dma.local @!p0 [hbm:s0], s1  }
0x7e: {  	s0 =	simm.s32 @!p0 $0x9  }
0x7f: {  	_ =	swait.ge @!p0 [sflag:s0], s1  }
0x80: {  	s1 =	ssub.s32 @!p0 $0x0, s1;
	[sflag:s0] =	ssyncset.done @!p0 $0x0  }
0x81: {  	[sflag:s0] =	ssyncadd.s32 @!p0 s1  }
0x82: {  	[bflag:$0x3] =	sbarrier.arrive $0xFFFF  }
0x83: {  	_ =	shalt  }

// kernel: kernel.8.cloned.1.call-start
scs
__scs_entry_jumppad:
0x0: {  	(pc) =	sbr.rel $0x88, $3  }
0x1: {  	(tag) =	ssettag $0x0;
	lr =	simm.s32 $0x1  }
0x2: {  	[smem:$0x3F9B] =	sst lr;
	_ =	strace $0xD0000000  }
0x3: {  	_ = 	snop  }
0x4: {  	_ = 	snop  }
0x5: {  	_ = 	snop  }
0x6: {  	_ = 	snop  }
0x7: {  	_ = 	snop  }
__scs_overlays_trampoline_lowered:
0x8: {  	[smem:$0x3FAA] =	sst s0  }
0x9: {  	[smem:$0x3FAB] =	sst s1  }
0xa: {  	[smem:$0x3FAC] =	sst s2  }
0xb: {  	[smem:$0x3FAD] =	sst s3  }
0xc: {  	[smem:$0x3FAE] =	sst s4  }
0xd: {  	[smem:$0x3FAF] =	sst s5  }
0xe: {  	[smem:$0x3FB0] =	sst s6  }
0xf: {  	[smem:$0x3FB1] =	sst s7  }
0x10: {  	[smem:$0x3FB2] =	sst s8  }
0x11: {  	[smem:$0x3FB3] =	sst s9;
	s0 =	simm.s32 @!p0 $0x0  }
0x12: {  	s1 =	sld [smem:$0x3F99];
	s0 =	simm.s32 @p0 $0x1  }
0x13: {  	[smem:$0x3FB4] =	sst s0;
	s0 =	simm.s32 @!p1 $0x0  }
0x14: {  	s2 =	sld [smem:$0x3F98];
	s0 =	simm.s32 @p1 $0x1  }
0x15: {  	[smem:$0x3FB5] =	sst s0;
	s0 =	simm.s32 @!p2 $0x0  }
0x16: {  	s3 =	sld [smem:$0x3FDB];
	s0 =	simm.s32 @p2 $0x1  }
0x17: {  	s4 =	simm.s32 $0x1BF5;
	[smem:$0x3FB7] =	sst s0  }
0x18: {  	s0 =	sld [smem:$0x3F9A];
	_ =	swait.ge [sflag:s4], $0x0  }
0x19: {  	s7 =	sld [smem:$0x3F9B]  }
0x1a: {  	s8 =	sadd.s32 $0xFFFFE003, lr  }
0x1b: {  	s9 =	sadd.s32 $0xFFFFFEF7, lr;
	s5 =	simm.s32 $0xFFFFFFFF;
	p2 =	slt.u32 s8, $0xFFFFF086  }
0x1c: {  	p1 =	slt.u32 s9, $0xF7A;
	s5 =	simm.s32 @!p2 $0x0  }
0x1d: {  	s5 =	simm.s32 @p1 $0x1;
	p0 =	seq.s32 s7, s2  }
0x1e: {  	s7 =	smul.u32 @!p0 $0xF7A, s2;
	p2 =	seq.s32 @!p0 s5, $0x0  }
0x1f: {  	s9 =	smul.u32 $0xF7A, s1;
	s8 =	simm.s32 @!p0 $0x1BF5;
	p2 =	por !p2, p0  }
0x20: {  	[sflag:s8] =	ssyncset.s32 @!p0 $0xFFFFF086;
	s6 =	sadd.s32 @!p0 s3, s7;
	s7 =	simm.s32 @!p0 $0x108  }
0x21: {  	s3 =	sadd.s32 s3, s9;
	s6 =	sadd.s32 @!p0 $0x88, s6;
	s7 =	simm.s32 @p2 $0x1082  }
0x22: {  	[simem:s7], [sflag:s8] =	dma.local @!p0 [hbm:s6], $0xF7A  }
0x23: {  	s9 =	sor.u32 $0xD0000000, s2;
	s6 =	simm.s32 $0x108;
	_ =	swait.ge @!p0 [sflag:s8], $0x0  }
0x24: {  	s3 =	sadd.s32 $0x88, s3;
	s6 =	simm.s32 @!p1 $0x1082;
	[sflag:s4] =	ssyncset.s32 $0xFFFFF086  }
0x25: {  	[simem:s6], [sflag:s4] =	dma.local [hbm:s3], $0xF7A  }
0x26: {  	[smem:$0x3F9B] =	sst s1;
	(tag) =	ssettag s2;
	_ =	strace s9  }
0x27: {  	s1 =	sld [smem:$0x3FAB]  }
0x28: {  	s2 =	sld [smem:$0x3FAC]  }
0x29: {  	s4 =	sld [smem:$0x3FAE]  }
0x2a: {  	p0 =	seq.s32 s5, $0x0;
	s5 =	sld [smem:$0x3FAF]  }
0x2b: {  	s6 =	sld [smem:$0x3FB0]  }
0x2c: {  	s7 =	sld [smem:$0x3FB1]  }
0x2d: {  	s3 =	simm.s32 $0x108;
	s8 =	sld [smem:$0x3FB2]  }
0x2e: {  	s3 =	simm.s32 @!p0 $0x1082;
	s9 =	sld [smem:$0x3FB3]  }
0x2f: {  	lr =	sadd.s32 s0, s3;
	s0 =	sld [smem:$0x3FAA]  }
0x30: {  	s3 =	sld [smem:$0x3FAD]  }
0x31: {  	[smem:$0x3FB6] =	sst s10  }
0x32: {  	s10 =	sld [smem:$0x3FB4];
	_ =	sdelay $0x3  }
0x33: {  	p0 =	seq.s32 s10, $0x1;
	s10 =	sld [smem:$0x3FB6];
	_ =	sdelay $0x3  }
0x34: {  	[smem:$0x3FB6] =	sst s10  }
0x35: {  	s10 =	sld [smem:$0x3FB5];
	_ =	sdelay $0x3  }
0x36: {  	p1 =	seq.s32 s10, $0x1;
	s10 =	sld [smem:$0x3FB6];
	_ =	sdelay $0x3  }
0x37: {  	[smem:$0x3FB6] =	sst s10  }
0x38: {  	s10 =	sld [smem:$0x3FB7]  }
0x39: {  	_ = 	snop;
	(pc) =	sbr.ind lr, $3  }
0x3a: {  	_ = 	snop  }
0x3b: {  	_ = 	snop  }
0x3c: {  	p2 =	seq.s32 s10, $0x1;
	s10 =	sld [smem:$0x3FB6]  }
0x3d: {  	_ =	shalt  }
0x3e: {  	_ =	shalt  }
0x3f: {  	_ =	shalt  }
0x40: {  	_ =	shalt  }
0x41: {  	_ =	shalt  }
0x42: {  	_ =	shalt  }
0x43: {  	_ =	shalt  }
0x44: {  	_ =	shalt  }
0x45: {  	_ =	shalt  }
0x46: {  	_ =	shalt  }
0x47: {  	_ =	shalt  }
0x48: {  	_ =	shalt  }
0x49: {  	_ =	shalt  }
0x4a: {  	_ =	shalt  }
0x4b: {  	_ =	shalt  }
0x4c: {  	_ =	shalt  }
0x4d: {  	_ =	shalt  }
0x4e: {  	_ =	shalt  }
0x4f: {  	_ =	shalt  }
0x50: {  	_ =	shalt  }
0x51: {  	_ =	shalt  }
0x52: {  	_ =	shalt  }
0x53: {  	_ =	shalt  }
0x54: {  	_ =	shalt  }
0x55: {  	_ =	shalt  }
0x56: {  	_ =	shalt  }
0x57: {  	_ =	shalt  }
0x58: {  	_ =	shalt  }
0x59: {  	_ =	shalt  }
0x5a: {  	_ =	shalt  }
0x5b: {  	_ =	shalt  }
0x5c: {  	_ =	shalt  }
0x5d: {  	_ =	shalt  }
0x5e: {  	_ =	shalt  }
0x5f: {  	_ =	shalt  }
0x60: {  	_ =	shalt  }
0x61: {  	_ =	shalt  }
0x62: {  	_ =	shalt  }
0x63: {  	_ =	shalt  }
0x64: {  	_ =	shalt  }
0x65: {  	_ =	shalt  }
0x66: {  	_ =	shalt  }
0x67: {  	_ =	shalt  }
0x68: {  	_ =	shalt  }
0x69: {  	_ =	shalt  }
0x6a: {  	_ =	shalt  }
0x6b: {  	_ =	shalt  }
0x6c: {  	_ =	shalt  }
0x6d: {  	_ =	shalt  }
0x6e: {  	_ =	shalt  }
0x6f: {  	_ =	shalt  }
0x70: {  	_ =	shalt  }
0x71: {  	_ =	shalt  }
0x72: {  	_ =	shalt  }
0x73: {  	_ =	shalt  }
0x74: {  	_ =	shalt  }
0x75: {  	_ =	shalt  }
0x76: {  	_ =	shalt  }
0x77: {  	_ =	shalt  }
0x78: {  	_ =	shalt  }
0x79: {  	_ =	shalt  }
0x7a: {  	_ =	shalt  }
0x7b: {  	_ =	shalt  }
0x7c: {  	_ =	shalt  }
0x7d: {  	_ =	shalt  }
0x7e: {  	_ =	shalt  }
0x7f: {  	_ =	shalt  }
0x80: {  	_ =	shalt  }
0x81: {  	_ =	shalt  }
0x82: {  	_ =	shalt  }
0x83: {  	_ =	shalt  }
0x84: {  	_ =	shalt  }
0x85: {  	_ =	shalt  }
0x86: {  	_ =	shalt  }
0x87: {  	_ =	shalt  }
.Lfunc_end0:
.L_simem_size_0:
called_computation_lowered:
.L_overlay_start_0:
0x88: {  	s2 =	sld [smem:$0x3FD9]  }
0x89: {  	s3 =	sld [smem:$0x3FFE];
	_ =	sdelay $0x1  }
0x8a: {  	s1 =	srdreg.scid  }
0x8b: {  	s0 =	sand.u32 $0x1, s1  }
0x8c: {  	s17 =	sshll.u32 s0, $0xA;
	s2 =	sadd.s32 s3, s2  }
0x8d: {  	s2 =	sadd.s32 s2, s17  }
0x8e: {  	[smem:$0x3FC2] =	sst s2  }
0x8f: {  	_ = 	snop  }
0x90: {  	s2 =	sld [smem:$0x3FD0];
	(tm) =	ssettm $0x1  }
0x91: {  	s18 =	sld [smem:$0x3FFB];
	_ =	sdelay $0x3  }
0x92: {  	_ =	strace s18  }
0x93: {  	s3 =	sld [smem:$0x3FFC];
	_ =	sdelay $0x3  }
0x94: {  	_ =	strace s3  }
0x95: {  	s3 =	sld [smem:$0x3FFD];
	_ =	sdelay $0x3  }
0x96: {  	_ =	strace s3  }
0x97: {  	_ =	strace $0x8FFFFFFF  }
0x98: {  	s19 =	sld [smem:$0x3FDB];
	_ =	sdelay $0x1  }
0x99: {  	s4 =	simm.s32 $_scs_section_size  }
0x9a: {  	s5 =	simm.s32 $_size__tile_overlayer_lowered;
	s6 =	simm.s32 $_tile_overlayer_lowered  }
0x9b: {  	s22 =	simm.s32 $0x1BFF;
	s21 =	sshll.u32 s6, $0x1;
	s3 =	sadd.s32 s4, s19  }
0x9c: {  	s7 =	simm.s32 $0x0;
	s20 =	sshll.u32 s5, $0x1;
	s5 =	sadd.s32 s21, s3  }
0x9d: {  	[timem:s7], [sflag:s22] =	dma.local [hbm:s5], s20  }
0x9e: {  	_ =	swait.ge [sflag:s22], s20  }
0x9f: {  	s4 =	ssub.s32 $0x0, s20;
	[sflag:s22] =	ssyncset.done $0x0  }
0xa0: {  	[sflag:s22] =	ssyncadd.s32 s4;
	_ =	sdelay $0x1  }
0xa1: {  	s23 =	simm.s32 $0x1B8B  }
0xa2: {  	_ =	swait.ge [sflag:s23], $0x1  }
0xa3: {  	[sflag:s23] =	ssyncset.done $0x0  }
0xa4: {  	s25 =	simm.s32 $0x1B8E;
	s24 =	sld [smem:$0x3FFE];
	[sflag:s23] =	ssyncadd.s32 $0xFFFFFFFF  }
0xa5: {  	s26 =	simm.s32 $execute0_lowered;
	[smem:$0x3FD2] =	sst s25  }
0xa6: {  	s5 =	sshll.u32 s26, $0x1;
	_ =	strace $0x80000046;
	[dreg:$0x1] =	wrdreg $0xFFFFFFFF  }
0xa7: {  	s28 =	simm.s32 $_size_execute0_lowered;
	s3 =	sadd.s32 s3, s5;
	[dreg:$0x0] =	wrdreg $0x0  }
0xa8: {  	s5 =	sshll.u32 s28, $0x1;
	[dreg:$0x2] =	wrdreg s3  }
0xa9: {  	[dreg:$0x3] =	wrdreg s5  }
0xaa: {  	[dreg:$0x4] =	wrdreg $0xC0  }
0xab: {  	_ =	task [dreg:s7], $0x5FFFF  }
0xac: {  	[dreg:$0x1] =	wrdreg $0xFFFFFFFF  }
0xad: {  	[dreg:$0x0] =	wrdreg $0x60  }
0xae: {  	[dreg:$0x2] =	wrdreg s24  }
0xaf: {  	[dreg:$0x3] =	wrdreg s2  }
0xb0: {  	[dreg:$0x4] =	wrdreg $0x9  }
0xb1: {  	_ =	task.clear_ibuf [dreg:s7], $0x5FFFF;
	_ =	strace $0x90000046  }
0xb2: {  	s29 =	simm.s32 $0x9;
	_ =	strace $0x80000048  }
0xb3: {  	_ =	swait.ge [sflag:s29], $0x1  }
0xb4: {  	[sflag:s29] =	ssyncadd.s32 $0xFFFFFFFF  }
0xb5: {  	_ =	strace $0x90000048  }
0xb6: {  	_ =	sfence  }
0xb7: {  	s30 =	sld [smem:$0x0];
	_ =	sdelay $0x2  }
0xb8: {  	s31 =	sshll.u32 s1, $0xD;
	s1 =	sshrl.u32 s1, $0x2  }
0xb9: {  	s3 =	sand.u32 $0x4000, s31;
	s1 =	sadd.s32 s1, s30  }
0xba: {  	s0 =	sor.u32 s3, s0;
	s1 =	sshll.u32 s1, $0x11  }
0xbb: {  	s0 =	sor.u32 s1, s0  }
0xbc: {  	s0 =	sadd.s32 $0x8F2B, s0  }
0xbd: {  	[sflag:s0] =	ssyncadd.remote.s32 $0x1  }
0xbe: {  	_ =	sfence.sel $0xFFFF  }
0xbf: {  	[dreg:$0x0] =	wrdreg $0xFFFFFFFF;
	(pc) =	sbr.abs _section_cstart, $3  }
0xc0: {  	[dreg:$0x1] =	wrdreg $0xFFFFFFFF  }
0xc1: {  	_ =	task.clear_ibuf [dreg:s7], $0x2FFFF;
	_ =	strace $0x9FFFFFFF  }
0xc2: {  	(tm) =	ssettm $0x7FFFFFFF  }
0xc3: {  	_ =	shalt  }
tec
execute0_lowered:
.L_overlay_start_1:
0x0: {  	(tag) =	ssettag $0x1  }
0x1: {  	s4 =	rddreg [dreg:$0x0]  }
0x2: {  	s0 =	srdreg.scid;
	s5 =	rddreg [dreg:$0x1]  }
0x3: {  	s2 =	simm.s32 $0x0;
	s11 =	simm.s32 $0x5000;
	s12 =	simm.s32 $0x7800  }
0x4: {  	s13 =	simm.s32 $0x80;
	s14 =	simm.s32 $0x400;
	s3 =	sand.u32 $0x1, s0  }
0x5: {  	s15 =	simm.s32 $0x0;
	s0 =	stileid.u32;
	s1 =	sshll.u32 s3, $0x4  }
0x6: {  	[smem:$0x7FF] =	sst s2;
	s8 =	sshll.u32 s0, $0x7;
	s6 =	sor.u32 s0, s1  }
0x7: {  	s31 =	ssub.s32 $0x2, s3;
	s7 =	sshrl.u32 s6, $0x3;
	s6 =	smul.u32 $0x500, s6  }
0x8: {  	s3 =	sadd.s32 $0xC200, s4;
	s1 =	rddreg [dreg:$0x2];
	s7 =	smul.u32 $0x14000, s7  }
0x9: {  	s8 =	sand.u32 $0x380, s8;
	_ =	strace $0x80000047;
	s10 =	sshrl.u32 s31, $0x1  }
0xa: {  	s9 =	sadd.s32 s6, s4;
	s5 =	sadd.s32 s5, s6;
	s7 =	sor.u32 s8, s7  }
0xb: {  	s8 =	ssub.s32 s31, s10;
	s10 =	simm.s32 $0x2800;
	s7 =	sshrl.u32 s7, $0x3  }
0xc: {  	s8 =	smax.u32 s8, $0x1;
	s7 =	sadd.s32 s7, s4;
	s4 =	sadd.s32 $0x2200, s9  }
0xd: {  	v0 =	vimm.f32 $1.000000000e+00;
	s9 =	simm.s32 $0x1;
	s6 =	sadd.s32 $0xC800, s7;
	s7 =	sadd.s32 $0x16800, s7  }
.LBB2_1:
0xe: {  	[tilespmem:s2], [sflag:$0x1] =	stream.linear.gather [hbm4b:s4+s2], $0x2800, $0x38;
	[tilespmem:$0xA000] =	vst v63  }
0xf: {  	_ =	swait.ge [sflag:s9], $0x2800  }
0x10: {  	[sflag:s9] =	ssyncset.done $0x0  }
0x11: {  	[sflag:s9] =	ssyncadd.s32 $0xFFFFD800  }
0x12: {  	[tilespmem:s10], [sflag:$0x1] =	stream.linear.gather [hbm4b:s5+s2], $0x2800, $0x38;
	[tilespmem:$0xA000] =	vst v63  }
0x13: {  	_ =	swait.ge [sflag:s9], $0x2800  }
0x14: {  	[sflag:s9] =	ssyncset.done $0x0  }
0x15: {  	[sflag:s9] =	ssyncadd.s32 $0xFFFFD800  }
0x16: {  	[tilespmem:s11], [sflag:$0x1] =	stream.linear.gather [hbm4b:s3+s2], $0x2800, $0x38;
	[tilespmem:$0xA000] =	vst v63  }
0x17: {  	_ =	swait.ge [sflag:s9], $0x2800  }
0x18: {  	[sflag:s9] =	ssyncset.done $0x0  }
0x19: {  	[sflag:s9] =	ssyncadd.s32 $0xFFFFD800  }
0x1a: {  	[tilespmem:s12], [sflag:$0x1] =	stream.linear.gather [hbm4b:s3+s2], $0x2800, $0x38;
	[tilespmem:$0xA000] =	vst v63  }
0x1b: {  	_ =	swait.ge [sflag:s9], $0x2800  }
0x1c: {  	[sflag:s9] =	ssyncset.done $0x0  }
0x1d: {  	s16 =	simm.s32 $0x0;
	[sflag:s9] =	ssyncadd.s32 $0xFFFFD800  }
.LBB2_2:
0x1e: {  	s17 =	sshra.s32 s16, $0x2  }
0x1f: {  	v1 =	vld [tilespmem:s17+$0x0]  }
0x20: {  	v2 =	vld [tilespmem:s17+$0x2800];
	_ =	sdelay $0x6  }
0x21: {  	[tilespmem:v1+s11+$0x0] =	vst.idx.add.f32.msk $0xffff, v0  }
0x22: {  	[tilespmem:v2+s12+$0x0] =	vst.idx.add.f32.msk $0xffff, v0  }
0x23: {  	v1 =	vld [tilespmem:s17+$0x10]  }
0x24: {  	v2 =	vld [tilespmem:s17+$0x2810];
	_ =	sdelay $0x6  }
0x25: {  	[tilespmem:v1+s11+$0x0] =	vst.idx.add.f32.msk $0xffff, v0  }
0x26: {  	[tilespmem:v2+s12+$0x0] =	vst.idx.add.f32.msk $0xffff, v0  }
0x27: {  	v1 =	vld [tilespmem:s17+$0x20]  }
0x28: {  	v2 =	vld [tilespmem:s17+$0x2820];
	_ =	sdelay $0x6  }
0x29: {  	[tilespmem:v1+s11+$0x0] =	vst.idx.add.f32.msk $0xffff, v0  }
0x2a: {  	[tilespmem:v2+s12+$0x0] =	vst.idx.add.f32.msk $0xffff, v0  }
0x2b: {  	v1 =	vld [tilespmem:s17+$0x30]  }
0x2c: {  	v2 =	vld [tilespmem:s17+$0x2830];
	_ =	sdelay $0x6  }
0x2d: {  	[tilespmem:v1+s11+$0x0] =	vst.idx.add.f32.msk $0xffff, v0  }
0x2e: {  	[tilespmem:v2+s12+$0x0] =	vst.idx.add.f32.msk $0xffff, v0  }
0x2f: {  	v1 =	vld [tilespmem:s17+$0x40]  }
0x30: {  	v2 =	vld [tilespmem:s17+$0x2840];
	_ =	sdelay $0x6  }
0x31: {  	[tilespmem:v1+s11+$0x0] =	vst.idx.add.f32.msk $0xffff, v0  }
0x32: {  	[tilespmem:v2+s12+$0x0] =	vst.idx.add.f32.msk $0xffff, v0  }
0x33: {  	v1 =	vld [tilespmem:s17+$0x50]  }
0x34: {  	v2 =	vld [tilespmem:s17+$0x2850];
	_ =	sdelay $0x6  }
0x35: {  	[tilespmem:v1+s11+$0x0] =	vst.idx.add.f32.msk $0xffff, v0  }
0x36: {  	[tilespmem:v2+s12+$0x0] =	vst.idx.add.f32.msk $0xffff, v0  }
0x37: {  	v1 =	vld [tilespmem:s17+$0x60]  }
0x38: {  	v2 =	vld [tilespmem:s17+$0x2860];
	_ =	sdelay $0x6  }
0x39: {  	[tilespmem:v1+s11+$0x0] =	vst.idx.add.f32.msk $0xffff, v0  }
0x3a: {  	[tilespmem:v2+s12+$0x0] =	vst.idx.add.f32.msk $0xffff, v0  }
0x3b: {  	v1 =	vld [tilespmem:s17+$0x70]  }
0x3c: {  	v2 =	vld [tilespmem:s17+$0x2870];
	_ =	sdelay $0x2  }
0x3d: {  	p0 =	sne.s32 s16, $0x9E00  }
.Ltmp0:
0x3e: {  	_ = 	snop;
	(pc) =	sbr.rel @p0 .LBB2_2-.Ltmp0, $3  }
0x3f: {  	_ =	sdelay $0x1  }
0x40: {  	[tilespmem:v1+s11+$0x0] =	vst.idx.add.f32.msk $0xffff, v0  }
0x41: {  	s16 =	sadd.s32 $0x200, s16;
	[tilespmem:v2+s12+$0x0] =	vst.idx.add.f32.msk $0xffff, v0  }
0x42: {  	[hbm4b:s6+s13] =	stream.strided.scatter [tilespmem:s11], [sflag:$0x1], $0x2800, s14, s13, $0x38;
	[tilespmem:$0xA000] =	vst v63  }
0x43: {  	s15 =	sadd.s32 $0x1, s15;
	_ =	swait.ge [sflag:s9], $0x2800  }
0x44: {  	p0 =	sne.s32 s15, s8;
	[sflag:s9] =	ssyncset.done $0x0  }
.Ltmp1:
0x45: {  	[sflag:s9] =	ssyncadd.s32 $0xFFFFD800;
	(pc) =	sbr.rel @p0 .LBB2_1-.Ltmp1, $4  }
0x46: {  	[hbm4b:s7+s13] =	stream.strided.scatter [tilespmem:s12], [sflag:$0x1], $0x2800, s14, s13, $0x38;
	[tilespmem:$0xA000] =	vst v63  }
0x47: {  	_ =	swait.ge [sflag:s9], $0x2800  }
0x48: {  	[sflag:s9] =	ssyncset.done $0x0  }
0x49: {  	[sflag:s9] =	ssyncadd.s32 $0xFFFFD800  }
0x4a: {  	_ =	sfence.sel $0x180000  }
0x4b: {  	[bflag:$0x0] =	sbarrier.arrive $0xFFFF  }
0x4c: {  	p0 =	sne.s32 s0, $0x0;
	_ =	strace $0x90000047  }
0x4d: {  	s0 =	sadd.s32 @!p0 $0x100000, s1;
	[bflag:$0x2] =	sbarrier.arrive $0xFFFF  }
0x4e: {  	[sflag:s0] =	ssyncadd.tile.s32 @!p0 $0x1;
	_ =	shalt  }
.Lfunc_end2:
_tile_overlayer_lowered:
.L_overlay_start_2:
0x4f: {  	(tag) =	ssettag $0x2  }
0x50: {  	s0 =	rddreg [dreg:$0x0];
	s2 =	stileid.u32  }
0x51: {  	s1 =	rddreg [dreg:$0x1];
	p0 =	sne.s32 s2, $0x0  }
0x52: {  	s3 =	rddreg [dreg:$0x2];
	[bflag:$0x3] =	sbarrier.arrive $0xFFFF;
	s2 =	simm.s32 @!p0 $0x1C01  }
0x53: {  	[timem:s3], [sflag:s2] =	dma.local @!p0 [hbm:s0], s1  }
0x54: {  	s0 =	simm.s32 @!p0 $0x1  }
0x55: {  	_ =	swait.ge @!p0 [sflag:s0], s1  }
0x56: {  	s1 =	ssub.s32 @!p0 $0x0, s1;
	[sflag:s0] =	ssyncset.done @!p0 $0x0  }
0x57: {  	[sflag:s0] =	ssyncadd.s32 @!p0 s1  }
0x58: {  	[bflag:$0x3] =	sbarrier.arrive $0xFFFF  }
0x59: {  	_ =	shalt  }

</sc_bundles>
